<compile_context>
chip_gen: v7x
topology: tpu7x:2x2x1
jax: 0.10.2.dev20260603
libtpu: 0.0.44.dev20260713+nightly
codegen_flags: <defaults>
</compile_context>

<pallas_src>
import functools

import jax
import jax.numpy as jnp
from jax import lax
from jax.experimental import pallas as pl
from jax.experimental.pallas import tpu as pltpu
from jax.experimental.pallas import tpu_sc as plsc

N = 8192
B = 16384
NC, NS = 2, 16
NW = NC * NS
CHUNK = 128
LANES = 16
ROWS_PER_W = B // (NW * CHUNK)


def _sc_gather(params_flat, i2d, j2d):
    mesh = plsc.VectorSubcoreMesh(
        core_axis_name="c", subcore_axis_name="s",
        num_cores=NC, num_subcores=NS,
    )

    @functools.partial(
        pl.kernel,
        out_type=jax.ShapeDtypeStruct((B // CHUNK, CHUNK), jnp.float32),
        mesh=mesh,
        scratch_types=[
            pltpu.VMEM((ROWS_PER_W, CHUNK), jnp.int32),
            pltpu.VMEM((ROWS_PER_W, CHUNK), jnp.int32),
            pltpu.VMEM((ROWS_PER_W, CHUNK), jnp.float32),
            pltpu.SemaphoreType.DMA,
            pltpu.SemaphoreType.DMA,
        ],
    )
    def k(params_hbm, i_hbm, j_hbm, out_hbm, i_v, idx_v, vals_v, sem_in, sem):
        wid = lax.axis_index("s") * NC + lax.axis_index("c")
        base = wid * ROWS_PER_W
        cp_i = pltpu.async_copy(i_hbm.at[pl.ds(base, ROWS_PER_W)], i_v, sem_in)
        cp_j = pltpu.async_copy(j_hbm.at[pl.ds(base, ROWS_PER_W)], idx_v, sem_in)
        cp_i.wait()
        cp_j.wait()
        cps = []
        for c in range(ROWS_PER_W):
            def body(s, carry, c=c):
                sl = (c, pl.ds(s * LANES, LANES))
                iv = i_v[sl]
                jv = idx_v[sl]
                idx_v[sl] = (
                    ((iv >> 3) << 16)
                    + ((jv >> 7) << 10)
                    + ((iv & 7) << 7)
                    + (jv & 127)
                )
                return carry

            lax.fori_loop(0, CHUNK // LANES, body, 0)
            cps.append(
                pltpu.async_copy(params_hbm.at[idx_v.at[c]], vals_v.at[c], sem)
            )
        scps = []
        for c in range(ROWS_PER_W):
            cps[c].wait()
            scps.append(
                pltpu.async_copy(vals_v.at[c], out_hbm.at[base + c], sem_in)
            )
        for cp in scps:
            cp.wait()

    return k(params_flat, i2d, j2d)


def kernel(params, i, j):
    params_flat = (
        params.reshape(N // 8, 8, N // 128, 128)
        .transpose(0, 2, 1, 3)
        .reshape(N * N)
    )
    i2d = i.astype(jnp.int32).reshape(B // CHUNK, CHUNK)
    j2d = j.astype(jnp.int32).reshape(B // CHUNK, CHUNK)
    out = _sc_gather(params_flat, i2d, j2d)
    return out.reshape(B)

# --- scband reference (transcript-rebuilt; emitter-appended) ---
"""Pipeline reference for scband-model-67173288509907 (READ-ONLY COPY).

The authoritative reference and input builder live on the scoring server;
editing this copy changes nothing except your own understanding.
"""

import jax, jax.numpy as jnp
import numpy as np

N = 8192
B = 16384

def setup_inputs(seed: int = 0) -> dict:
    key = jax.random.key(seed)
    k1, k2, k3 = jax.random.split(key, 3)
    params = jax.random.normal(k1, (N, N), dtype=jnp.float32)
    i = jax.random.randint(k2, (B,), 0, N, dtype=jnp.int64 if jax.config.jax_enable_x64 else jnp.int32)
    j = jax.random.randint(k3, (B,), 0, N, dtype=jnp.int64 if jax.config.jax_enable_x64 else jnp.int32)
    return {"params": params, "i": i, "j": j}

def reference(params, i, j):
    # Faithful translation of Model.__getitem__((i, j)) -> self.params[i, j]
    # Advanced indexing with two integer index arrays -> elementwise gather.
    return params[i, j]

if __name__ == "__main__":
    import jax
    _d = setup_inputs()
    print(jax.jit(kernel)(*tuple(_d.values())))

</pallas_src>

<mosaic_0001>
#map = affine_map<(d0, d1) -> (0)>
#map1 = affine_map<(d0, d1) -> (0, 0)>
module attributes {stable_mosaic.version = 14 : i64} {
  func.func @k(%arg0: i32, %arg1: i32, %arg2: memref<67108864xf32, #tpu.memory_space<hbm>>, %arg3: memref<128x128xi32, #tpu.memory_space<hbm>>, %arg4: memref<128x128xi32, #tpu.memory_space<hbm>>, %arg5: memref<128x128xf32, #tpu.memory_space<hbm>>, %arg6: memref<4x128xi32, #tpu.memory_space<vmem>>, %arg7: memref<4x128xi32, #tpu.memory_space<vmem>>, %arg8: memref<4x128xf32, #tpu.memory_space<vmem>>, %arg9: memref<!tpu.dma_semaphore, #tpu.memory_space<semaphore_mem>>, %arg10: memref<!tpu.dma_semaphore, #tpu.memory_space<semaphore_mem>>) attributes {dimension_semantics = [#tpu.dimension_semantics<core_parallel>, #tpu.dimension_semantics<subcore_parallel>], iteration_bounds = array<i64: 2, 16>, scalar_prefetch = 0 : i64, scratch_operands = 5 : i64, tpu.core_type = #tpu.core_type<sc_vector_subcore>, window_params = [{transform_indices = #map}, {transform_indices = #map1}, {transform_indices = #map1}, {transform_indices = #map1}]} {
    %mul3A = arith.constant 2 : i32
    %mul3A_0 = arith.muli %arg1, %mul3A : i32
    %add3A = arith.addi %mul3A_0, %arg0 : i32
    %mul3A_1 = arith.constant 4 : i32
    %mul3A_2 = arith.muli %add3A, %mul3A_1 : i32
    %dma_start3A = arith.constant 0 : i32
    %dma_start3A_3 = tpu.memref_slice %arg3[%mul3A_2, %dma_start3A] : memref<128x128xi32, #tpu.memory_space<hbm>> -> memref<4x128xi32, #tpu.memory_space<hbm>>
    %dma_start3A_4 = arith.constant 0 : i32
    %dma_start3A_5 = tpu.memref_slice %arg3[%mul3A_2, %dma_start3A_4] : memref<128x128xi32, #tpu.memory_space<hbm>> -> memref<4x128xi32, #tpu.memory_space<hbm>>
    tpu.enqueue_dma source(%dma_start3A_5 : memref<4x128xi32, #tpu.memory_space<hbm>>) target(%arg6 : memref<4x128xi32, #tpu.memory_space<vmem>>) target_semaphore(%arg9 : memref<!tpu.dma_semaphore, #tpu.memory_space<semaphore_mem>>)
    %dma_start3A_6 = arith.constant 0 : i32
    %dma_start3A_7 = tpu.memref_slice %arg4[%mul3A_2, %dma_start3A_6] : memref<128x128xi32, #tpu.memory_space<hbm>> -> memref<4x128xi32, #tpu.memory_space<hbm>>
    %dma_start3A_8 = arith.constant 0 : i32
    %dma_start3A_9 = tpu.memref_slice %arg4[%mul3A_2, %dma_start3A_8] : memref<128x128xi32, #tpu.memory_space<hbm>> -> memref<4x128xi32, #tpu.memory_space<hbm>>
    tpu.enqueue_dma source(%dma_start3A_9 : memref<4x128xi32, #tpu.memory_space<hbm>>) target(%arg7 : memref<4x128xi32, #tpu.memory_space<vmem>>) target_semaphore(%arg9 : memref<!tpu.dma_semaphore, #tpu.memory_space<semaphore_mem>>)
    %dma_wait3A = arith.constant 0 : i32
    %dma_wait3A_10 = tpu.memref_slice %arg3[%mul3A_2, %dma_wait3A] : memref<128x128xi32, #tpu.memory_space<hbm>> -> memref<4x128xi32, #tpu.memory_space<hbm>>
    %dma_wait3A_11 = arith.constant 0 : i32
    %dma_wait3A_12 = tpu.memref_slice %arg3[%mul3A_2, %dma_wait3A_11] : memref<128x128xi32, #tpu.memory_space<hbm>> -> memref<4x128xi32, #tpu.memory_space<hbm>>
    tpu.wait_dma2 semaphore(%arg9 : memref<!tpu.dma_semaphore, #tpu.memory_space<semaphore_mem>>) src(%dma_wait3A_12 : memref<4x128xi32, #tpu.memory_space<hbm>>) dst(%arg6 : memref<4x128xi32, #tpu.memory_space<vmem>>)
    %dma_wait3A_13 = arith.constant 0 : i32
    %dma_wait3A_14 = tpu.memref_slice %arg4[%mul3A_2, %dma_wait3A_13] : memref<128x128xi32, #tpu.memory_space<hbm>> -> memref<4x128xi32, #tpu.memory_space<hbm>>
    %dma_wait3A_15 = arith.constant 0 : i32
    %dma_wait3A_16 = tpu.memref_slice %arg4[%mul3A_2, %dma_wait3A_15] : memref<128x128xi32, #tpu.memory_space<hbm>> -> memref<4x128xi32, #tpu.memory_space<hbm>>
    tpu.wait_dma2 semaphore(%arg9 : memref<!tpu.dma_semaphore, #tpu.memory_space<semaphore_mem>>) src(%dma_wait3A_16 : memref<4x128xi32, #tpu.memory_space<hbm>>) dst(%arg7 : memref<4x128xi32, #tpu.memory_space<vmem>>)
    %scan3A = arith.constant 0 : i32
    %scan3A_17 = arith.constant 0 : i32
    %scan3A_18 = arith.constant 8 : i32
    %scan3A_19 = arith.addi %scan3A_17, %scan3A_18 : i32
    %scan3A_20 = arith.constant 1 : i32
    scf.for %scan3A_232 = %scan3A_17 to %scan3A_19 step %scan3A_20  : i32 {
      %mul3A_233 = arith.constant 16 : i32
      %mul3A_234 = arith.muli %scan3A_232, %mul3A_233 : i32
      %get3A = arith.constant 0 : i32
      %get3A_235 = arith.index_cast %get3A : i32 to index
      %get3A_236 = arith.index_cast %mul3A_234 : i32 to index
      %get3A_237 = tpu.vector_load %arg6[%get3A_235, %get3A_236] {strides = array<i32>} : memref<4x128xi32, #tpu.memory_space<vmem>>, vector<1x16xi32>,
      %get3A_238 = vector.shape_cast %get3A_237 : vector<1x16xi32> to vector<16xi32>
      %get3A_239 = arith.constant 0 : i32
      %get3A_240 = arith.index_cast %get3A_239 : i32 to index
      %get3A_241 = arith.index_cast %mul3A_234 : i32 to index
      %get3A_242 = tpu.vector_load %arg7[%get3A_240, %get3A_241] {strides = array<i32>} : memref<4x128xi32, #tpu.memory_space<vmem>>, vector<1x16xi32>,
      %get3A_243 = vector.shape_cast %get3A_242 : vector<1x16xi32> to vector<16xi32>
      %shift_right_arithmetic3A = arith.constant 3 : i32
      %shift_right_arithmetic3A_244 = vector.broadcast %shift_right_arithmetic3A : i32 to vector<16xi32>
      %shift_right_arithmetic3A_245 = arith.shrsi %get3A_238, %shift_right_arithmetic3A_244 : vector<16xi32>
      %shift_left3A = arith.constant 16 : i32
      %shift_left3A_246 = vector.broadcast %shift_left3A : i32 to vector<16xi32>
      %shift_left3A_247 = arith.shli %shift_right_arithmetic3A_245, %shift_left3A_246 : vector<16xi32>
      %shift_right_arithmetic3A_248 = arith.constant 7 : i32
      %shift_right_arithmetic3A_249 = vector.broadcast %shift_right_arithmetic3A_248 : i32 to vector<16xi32>
      %shift_right_arithmetic3A_250 = arith.shrsi %get3A_243, %shift_right_arithmetic3A_249 : vector<16xi32>
      %shift_left3A_251 = arith.constant 10 : i32
      %shift_left3A_252 = vector.broadcast %shift_left3A_251 : i32 to vector<16xi32>
      %shift_left3A_253 = arith.shli %shift_right_arithmetic3A_250, %shift_left3A_252 : vector<16xi32>
      %add3A_254 = arith.addi %shift_left3A_247, %shift_left3A_253 : vector<16xi32>
      %and3A = arith.constant 7 : i32
      %and3A_255 = vector.broadcast %and3A : i32 to vector<16xi32>
      %and3A_256 = arith.andi %get3A_238, %and3A_255 : vector<16xi32>
      %shift_left3A_257 = arith.constant 7 : i32
      %shift_left3A_258 = vector.broadcast %shift_left3A_257 : i32 to vector<16xi32>
      %shift_left3A_259 = arith.shli %and3A_256, %shift_left3A_258 : vector<16xi32>
      %add3A_260 = arith.addi %add3A_254, %shift_left3A_259 : vector<16xi32>
      %and3A_261 = arith.constant 127 : i32
      %and3A_262 = vector.broadcast %and3A_261 : i32 to vector<16xi32>
      %and3A_263 = arith.andi %get3A_243, %and3A_262 : vector<16xi32>
      %add3A_264 = arith.addi %add3A_260, %and3A_263 : vector<16xi32>
      %swap3A = arith.constant 0 : i32
      %swap3A_265 = arith.index_cast %swap3A : i32 to index
      %swap3A_266 = arith.index_cast %mul3A_234 : i32 to index
      %swap3A_267 = tpu.vector_load %arg7[%swap3A_265, %swap3A_266] {strides = array<i32>} : memref<4x128xi32, #tpu.memory_space<vmem>>, vector<1x16xi32>,
      %swap3A_268 = vector.shape_cast %swap3A_267 : vector<1x16xi32> to vector<16xi32>
      %swap3A_269 = vector.shape_cast %add3A_264 : vector<16xi32> to vector<1x16xi32>
      tpu.vector_store %arg7[%swap3A_265, %swap3A_266], %swap3A_269 {strides = array<i32>} : memref<4x128xi32, #tpu.memory_space<vmem>>, vector<1x16xi32>,
    }
    %scan3A_21 = arith.constant 8 : i32
    %dma_start3A_22 = arith.constant 0 : i32
    %dma_start3A_23 = arith.constant 0 : i32
    %dma_start3A_24 = arith.constant 0 : i32
    %dma_start3A_25 = tpu.memref_slice %arg8[%dma_start3A_23, %dma_start3A_24] : memref<4x128xf32, #tpu.memory_space<vmem>> -> memref<1x128xf32, #tpu.memory_space<vmem>>
    %dma_start3A_26 = tpu.memref_squeeze %dma_start3A_25 : memref<1x128xf32, #tpu.memory_space<vmem>> -> memref<128xf32, #tpu.memory_space<vmem>>
    %dma_start3A_27 = arith.constant 0 : i32
    %dma_start3A_28 = tpu.memref_slice %arg7[%dma_start3A_22, %dma_start3A_27] : memref<4x128xi32, #tpu.memory_space<vmem>> -> memref<1x128xi32, #tpu.memory_space<vmem>>
    %dma_start3A_29 = tpu.memref_squeeze %dma_start3A_28 : memref<1x128xi32, #tpu.memory_space<vmem>> -> memref<128xi32, #tpu.memory_space<vmem>>
    %dma_start3A_30 = arith.constant 0 : i32
    %dma_start3A_31 = tpu.memref_slice %arg2[%dma_start3A_30] : memref<67108864xf32, #tpu.memory_space<hbm>> -> memref<67108864xf32, #tpu.memory_space<hbm>>
    tpu.enqueue_indirect_dma source(%dma_start3A_31 : memref<67108864xf32, #tpu.memory_space<hbm>>) target(%dma_start3A_26 : memref<128xf32, #tpu.memory_space<vmem>>) offsets(%dma_start3A_29 : memref<128xi32, #tpu.memory_space<vmem>>) semaphore(%arg10 : memref<!tpu.dma_semaphore, #tpu.memory_space<semaphore_mem>>)
    %scan3A_32 = arith.constant 0 : i32
    %scan3A_33 = arith.constant 0 : i32
    %scan3A_34 = arith.constant 8 : i32
    %scan3A_35 = arith.addi %scan3A_33, %scan3A_34 : i32
    %scan3A_36 = arith.constant 1 : i32
    scf.for %scan3A_232 = %scan3A_33 to %scan3A_35 step %scan3A_36  : i32 {
      %mul3A_233 = arith.constant 16 : i32
      %mul3A_234 = arith.muli %scan3A_232, %mul3A_233 : i32
      %get3A = arith.constant 1 : i32
      %get3A_235 = arith.index_cast %get3A : i32 to index
      %get3A_236 = arith.index_cast %mul3A_234 : i32 to index
      %get3A_237 = tpu.vector_load %arg6[%get3A_235, %get3A_236] {strides = array<i32>} : memref<4x128xi32, #tpu.memory_space<vmem>>, vector<1x16xi32>,
      %get3A_238 = vector.shape_cast %get3A_237 : vector<1x16xi32> to vector<16xi32>
      %get3A_239 = arith.constant 1 : i32
      %get3A_240 = arith.index_cast %get3A_239 : i32 to index
      %get3A_241 = arith.index_cast %mul3A_234 : i32 to index
      %get3A_242 = tpu.vector_load %arg7[%get3A_240, %get3A_241] {strides = array<i32>} : memref<4x128xi32, #tpu.memory_space<vmem>>, vector<1x16xi32>,
      %get3A_243 = vector.shape_cast %get3A_242 : vector<1x16xi32> to vector<16xi32>
      %shift_right_arithmetic3A = arith.constant 3 : i32
      %shift_right_arithmetic3A_244 = vector.broadcast %shift_right_arithmetic3A : i32 to vector<16xi32>
      %shift_right_arithmetic3A_245 = arith.shrsi %get3A_238, %shift_right_arithmetic3A_244 : vector<16xi32>
      %shift_left3A = arith.constant 16 : i32
      %shift_left3A_246 = vector.broadcast %shift_left3A : i32 to vector<16xi32>
      %shift_left3A_247 = arith.shli %shift_right_arithmetic3A_245, %shift_left3A_246 : vector<16xi32>
      %shift_right_arithmetic3A_248 = arith.constant 7 : i32
      %shift_right_arithmetic3A_249 = vector.broadcast %shift_right_arithmetic3A_248 : i32 to vector<16xi32>
      %shift_right_arithmetic3A_250 = arith.shrsi %get3A_243, %shift_right_arithmetic3A_249 : vector<16xi32>
      %shift_left3A_251 = arith.constant 10 : i32
      %shift_left3A_252 = vector.broadcast %shift_left3A_251 : i32 to vector<16xi32>
      %shift_left3A_253 = arith.shli %shift_right_arithmetic3A_250, %shift_left3A_252 : vector<16xi32>
      %add3A_254 = arith.addi %shift_left3A_247, %shift_left3A_253 : vector<16xi32>
      %and3A = arith.constant 7 : i32
      %and3A_255 = vector.broadcast %and3A : i32 to vector<16xi32>
      %and3A_256 = arith.andi %get3A_238, %and3A_255 : vector<16xi32>
      %shift_left3A_257 = arith.constant 7 : i32
      %shift_left3A_258 = vector.broadcast %shift_left3A_257 : i32 to vector<16xi32>
      %shift_left3A_259 = arith.shli %and3A_256, %shift_left3A_258 : vector<16xi32>
      %add3A_260 = arith.addi %add3A_254, %shift_left3A_259 : vector<16xi32>
      %and3A_261 = arith.constant 127 : i32
      %and3A_262 = vector.broadcast %and3A_261 : i32 to vector<16xi32>
      %and3A_263 = arith.andi %get3A_243, %and3A_262 : vector<16xi32>
      %add3A_264 = arith.addi %add3A_260, %and3A_263 : vector<16xi32>
      %swap3A = arith.constant 1 : i32
      %swap3A_265 = arith.index_cast %swap3A : i32 to index
      %swap3A_266 = arith.index_cast %mul3A_234 : i32 to index
      %swap3A_267 = tpu.vector_load %arg7[%swap3A_265, %swap3A_266] {strides = array<i32>} : memref<4x128xi32, #tpu.memory_space<vmem>>, vector<1x16xi32>,
      %swap3A_268 = vector.shape_cast %swap3A_267 : vector<1x16xi32> to vector<16xi32>
      %swap3A_269 = vector.shape_cast %add3A_264 : vector<16xi32> to vector<1x16xi32>
      tpu.vector_store %arg7[%swap3A_265, %swap3A_266], %swap3A_269 {strides = array<i32>} : memref<4x128xi32, #tpu.memory_space<vmem>>, vector<1x16xi32>,
    }
    %scan3A_37 = arith.constant 8 : i32
    %dma_start3A_38 = arith.constant 1 : i32
    %dma_start3A_39 = arith.constant 1 : i32
    %dma_start3A_40 = arith.constant 0 : i32
    %dma_start3A_41 = tpu.memref_slice %arg8[%dma_start3A_39, %dma_start3A_40] : memref<4x128xf32, #tpu.memory_space<vmem>> -> memref<1x128xf32, #tpu.memory_space<vmem>>
    %dma_start3A_42 = tpu.memref_squeeze %dma_start3A_41 : memref<1x128xf32, #tpu.memory_space<vmem>> -> memref<128xf32, #tpu.memory_space<vmem>>
    %dma_start3A_43 = arith.constant 0 : i32
    %dma_start3A_44 = tpu.memref_slice %arg7[%dma_start3A_38, %dma_start3A_43] : memref<4x128xi32, #tpu.memory_space<vmem>> -> memref<1x128xi32, #tpu.memory_space<vmem>>
    %dma_start3A_45 = tpu.memref_squeeze %dma_start3A_44 : memref<1x128xi32, #tpu.memory_space<vmem>> -> memref<128xi32, #tpu.memory_space<vmem>>
    %dma_start3A_46 = arith.constant 0 : i32
    %dma_start3A_47 = tpu.memref_slice %arg2[%dma_start3A_46] : memref<67108864xf32, #tpu.memory_space<hbm>> -> memref<67108864xf32, #tpu.memory_space<hbm>>
    tpu.enqueue_indirect_dma source(%dma_start3A_47 : memref<67108864xf32, #tpu.memory_space<hbm>>) target(%dma_start3A_42 : memref<128xf32, #tpu.memory_space<vmem>>) offsets(%dma_start3A_45 : memref<128xi32, #tpu.memory_space<vmem>>) semaphore(%arg10 : memref<!tpu.dma_semaphore, #tpu.memory_space<semaphore_mem>>)
    %scan3A_48 = arith.constant 0 : i32
    %scan3A_49 = arith.constant 0 : i32
    %scan3A_50 = arith.constant 8 : i32
    %scan3A_51 = arith.addi %scan3A_49, %scan3A_50 : i32
    %scan3A_52 = arith.constant 1 : i32
    scf.for %scan3A_232 = %scan3A_49 to %scan3A_51 step %scan3A_52  : i32 {
      %mul3A_233 = arith.constant 16 : i32
      %mul3A_234 = arith.muli %scan3A_232, %mul3A_233 : i32
      %get3A = arith.constant 2 : i32
      %get3A_235 = arith.index_cast %get3A : i32 to index
      %get3A_236 = arith.index_cast %mul3A_234 : i32 to index
      %get3A_237 = tpu.vector_load %arg6[%get3A_235, %get3A_236] {strides = array<i32>} : memref<4x128xi32, #tpu.memory_space<vmem>>, vector<1x16xi32>,
      %get3A_238 = vector.shape_cast %get3A_237 : vector<1x16xi32> to vector<16xi32>
      %get3A_239 = arith.constant 2 : i32
      %get3A_240 = arith.index_cast %get3A_239 : i32 to index
      %get3A_241 = arith.index_cast %mul3A_234 : i32 to index
      %get3A_242 = tpu.vector_load %arg7[%get3A_240, %get3A_241] {strides = array<i32>} : memref<4x128xi32, #tpu.memory_space<vmem>>, vector<1x16xi32>,
      %get3A_243 = vector.shape_cast %get3A_242 : vector<1x16xi32> to vector<16xi32>
      %shift_right_arithmetic3A = arith.constant 3 : i32
      %shift_right_arithmetic3A_244 = vector.broadcast %shift_right_arithmetic3A : i32 to vector<16xi32>
      %shift_right_arithmetic3A_245 = arith.shrsi %get3A_238, %shift_right_arithmetic3A_244 : vector<16xi32>
      %shift_left3A = arith.constant 16 : i32
      %shift_left3A_246 = vector.broadcast %shift_left3A : i32 to vector<16xi32>
      %shift_left3A_247 = arith.shli %shift_right_arithmetic3A_245, %shift_left3A_246 : vector<16xi32>
      %shift_right_arithmetic3A_248 = arith.constant 7 : i32
      %shift_right_arithmetic3A_249 = vector.broadcast %shift_right_arithmetic3A_248 : i32 to vector<16xi32>
      %shift_right_arithmetic3A_250 = arith.shrsi %get3A_243, %shift_right_arithmetic3A_249 : vector<16xi32>
      %shift_left3A_251 = arith.constant 10 : i32
      %shift_left3A_252 = vector.broadcast %shift_left3A_251 : i32 to vector<16xi32>
      %shift_left3A_253 = arith.shli %shift_right_arithmetic3A_250, %shift_left3A_252 : vector<16xi32>
      %add3A_254 = arith.addi %shift_left3A_247, %shift_left3A_253 : vector<16xi32>
      %and3A = arith.constant 7 : i32
      %and3A_255 = vector.broadcast %and3A : i32 to vector<16xi32>
      %and3A_256 = arith.andi %get3A_238, %and3A_255 : vector<16xi32>
      %shift_left3A_257 = arith.constant 7 : i32
      %shift_left3A_258 = vector.broadcast %shift_left3A_257 : i32 to vector<16xi32>
      %shift_left3A_259 = arith.shli %and3A_256, %shift_left3A_258 : vector<16xi32>
      %add3A_260 = arith.addi %add3A_254, %shift_left3A_259 : vector<16xi32>
      %and3A_261 = arith.constant 127 : i32
      %and3A_262 = vector.broadcast %and3A_261 : i32 to vector<16xi32>
      %and3A_263 = arith.andi %get3A_243, %and3A_262 : vector<16xi32>
      %add3A_264 = arith.addi %add3A_260, %and3A_263 : vector<16xi32>
      %swap3A = arith.constant 2 : i32
      %swap3A_265 = arith.index_cast %swap3A : i32 to index
      %swap3A_266 = arith.index_cast %mul3A_234 : i32 to index
      %swap3A_267 = tpu.vector_load %arg7[%swap3A_265, %swap3A_266] {strides = array<i32>} : memref<4x128xi32, #tpu.memory_space<vmem>>, vector<1x16xi32>,
      %swap3A_268 = vector.shape_cast %swap3A_267 : vector<1x16xi32> to vector<16xi32>
      %swap3A_269 = vector.shape_cast %add3A_264 : vector<16xi32> to vector<1x16xi32>
      tpu.vector_store %arg7[%swap3A_265, %swap3A_266], %swap3A_269 {strides = array<i32>} : memref<4x128xi32, #tpu.memory_space<vmem>>, vector<1x16xi32>,
    }
    %scan3A_53 = arith.constant 8 : i32
    %dma_start3A_54 = arith.constant 2 : i32
    %dma_start3A_55 = arith.constant 2 : i32
    %dma_start3A_56 = arith.constant 0 : i32
    %dma_start3A_57 = tpu.memref_slice %arg8[%dma_start3A_55, %dma_start3A_56] : memref<4x128xf32, #tpu.memory_space<vmem>> -> memref<1x128xf32, #tpu.memory_space<vmem>>
    %dma_start3A_58 = tpu.memref_squeeze %dma_start3A_57 : memref<1x128xf32, #tpu.memory_space<vmem>> -> memref<128xf32, #tpu.memory_space<vmem>>
    %dma_start3A_59 = arith.constant 0 : i32
    %dma_start3A_60 = tpu.memref_slice %arg7[%dma_start3A_54, %dma_start3A_59] : memref<4x128xi32, #tpu.memory_space<vmem>> -> memref<1x128xi32, #tpu.memory_space<vmem>>
    %dma_start3A_61 = tpu.memref_squeeze %dma_start3A_60 : memref<1x128xi32, #tpu.memory_space<vmem>> -> memref<128xi32, #tpu.memory_space<vmem>>
    %dma_start3A_62 = arith.constant 0 : i32
    %dma_start3A_63 = tpu.memref_slice %arg2[%dma_start3A_62] : memref<67108864xf32, #tpu.memory_space<hbm>> -> memref<67108864xf32, #tpu.memory_space<hbm>>
    tpu.enqueue_indirect_dma source(%dma_start3A_63 : memref<67108864xf32, #tpu.memory_space<hbm>>) target(%dma_start3A_58 : memref<128xf32, #tpu.memory_space<vmem>>) offsets(%dma_start3A_61 : memref<128xi32, #tpu.memory_space<vmem>>) semaphore(%arg10 : memref<!tpu.dma_semaphore, #tpu.memory_space<semaphore_mem>>)
    %scan3A_64 = arith.constant 0 : i32
    %scan3A_65 = arith.constant 0 : i32
    %scan3A_66 = arith.constant 8 : i32
    %scan3A_67 = arith.addi %scan3A_65, %scan3A_66 : i32
    %scan3A_68 = arith.constant 1 : i32
    scf.for %scan3A_232 = %scan3A_65 to %scan3A_67 step %scan3A_68  : i32 {
      %mul3A_233 = arith.constant 16 : i32
      %mul3A_234 = arith.muli %scan3A_232, %mul3A_233 : i32
      %get3A = arith.constant 3 : i32
      %get3A_235 = arith.index_cast %get3A : i32 to index
      %get3A_236 = arith.index_cast %mul3A_234 : i32 to index
      %get3A_237 = tpu.vector_load %arg6[%get3A_235, %get3A_236] {strides = array<i32>} : memref<4x128xi32, #tpu.memory_space<vmem>>, vector<1x16xi32>,
      %get3A_238 = vector.shape_cast %get3A_237 : vector<1x16xi32> to vector<16xi32>
      %get3A_239 = arith.constant 3 : i32
      %get3A_240 = arith.index_cast %get3A_239 : i32 to index
      %get3A_241 = arith.index_cast %mul3A_234 : i32 to index
      %get3A_242 = tpu.vector_load %arg7[%get3A_240, %get3A_241] {strides = array<i32>} : memref<4x128xi32, #tpu.memory_space<vmem>>, vector<1x16xi32>,
      %get3A_243 = vector.shape_cast %get3A_242 : vector<1x16xi32> to vector<16xi32>
      %shift_right_arithmetic3A = arith.constant 3 : i32
      %shift_right_arithmetic3A_244 = vector.broadcast %shift_right_arithmetic3A : i32 to vector<16xi32>
      %shift_right_arithmetic3A_245 = arith.shrsi %get3A_238, %shift_right_arithmetic3A_244 : vector<16xi32>
      %shift_left3A = arith.constant 16 : i32
      %shift_left3A_246 = vector.broadcast %shift_left3A : i32 to vector<16xi32>
      %shift_left3A_247 = arith.shli %shift_right_arithmetic3A_245, %shift_left3A_246 : vector<16xi32>
      %shift_right_arithmetic3A_248 = arith.constant 7 : i32
      %shift_right_arithmetic3A_249 = vector.broadcast %shift_right_arithmetic3A_248 : i32 to vector<16xi32>
      %shift_right_arithmetic3A_250 = arith.shrsi %get3A_243, %shift_right_arithmetic3A_249 : vector<16xi32>
      %shift_left3A_251 = arith.constant 10 : i32
      %shift_left3A_252 = vector.broadcast %shift_left3A_251 : i32 to vector<16xi32>
      %shift_left3A_253 = arith.shli %shift_right_arithmetic3A_250, %shift_left3A_252 : vector<16xi32>
      %add3A_254 = arith.addi %shift_left3A_247, %shift_left3A_253 : vector<16xi32>
      %and3A = arith.constant 7 : i32
      %and3A_255 = vector.broadcast %and3A : i32 to vector<16xi32>
      %and3A_256 = arith.andi %get3A_238, %and3A_255 : vector<16xi32>
      %shift_left3A_257 = arith.constant 7 : i32
      %shift_left3A_258 = vector.broadcast %shift_left3A_257 : i32 to vector<16xi32>
      %shift_left3A_259 = arith.shli %and3A_256, %shift_left3A_258 : vector<16xi32>
      %add3A_260 = arith.addi %add3A_254, %shift_left3A_259 : vector<16xi32>
      %and3A_261 = arith.constant 127 : i32
      %and3A_262 = vector.broadcast %and3A_261 : i32 to vector<16xi32>
      %and3A_263 = arith.andi %get3A_243, %and3A_262 : vector<16xi32>
      %add3A_264 = arith.addi %add3A_260, %and3A_263 : vector<16xi32>
      %swap3A = arith.constant 3 : i32
      %swap3A_265 = arith.index_cast %swap3A : i32 to index
      %swap3A_266 = arith.index_cast %mul3A_234 : i32 to index
      %swap3A_267 = tpu.vector_load %arg7[%swap3A_265, %swap3A_266] {strides = array<i32>} : memref<4x128xi32, #tpu.memory_space<vmem>>, vector<1x16xi32>,
      %swap3A_268 = vector.shape_cast %swap3A_267 : vector<1x16xi32> to vector<16xi32>
      %swap3A_269 = vector.shape_cast %add3A_264 : vector<16xi32> to vector<1x16xi32>
      tpu.vector_store %arg7[%swap3A_265, %swap3A_266], %swap3A_269 {strides = array<i32>} : memref<4x128xi32, #tpu.memory_space<vmem>>, vector<1x16xi32>,
    }
    %scan3A_69 = arith.constant 8 : i32
    %dma_start3A_70 = arith.constant 3 : i32
    %dma_start3A_71 = arith.constant 3 : i32
    %dma_start3A_72 = arith.constant 0 : i32
    %dma_start3A_73 = tpu.memref_slice %arg8[%dma_start3A_71, %dma_start3A_72] : memref<4x128xf32, #tpu.memory_space<vmem>> -> memref<1x128xf32, #tpu.memory_space<vmem>>
    %dma_start3A_74 = tpu.memref_squeeze %dma_start3A_73 : memref<1x128xf32, #tpu.memory_space<vmem>> -> memref<128xf32, #tpu.memory_space<vmem>>
    %dma_start3A_75 = arith.constant 0 : i32
    %dma_start3A_76 = tpu.memref_slice %arg7[%dma_start3A_70, %dma_start3A_75] : memref<4x128xi32, #tpu.memory_space<vmem>> -> memref<1x128xi32, #tpu.memory_space<vmem>>
    %dma_start3A_77 = tpu.memref_squeeze %dma_start3A_76 : memref<1x128xi32, #tpu.memory_space<vmem>> -> memref<128xi32, #tpu.memory_space<vmem>>
    %dma_start3A_78 = arith.constant 0 : i32
    %dma_start3A_79 = tpu.memref_slice %arg2[%dma_start3A_78] : memref<67108864xf32, #tpu.memory_space<hbm>> -> memref<67108864xf32, #tpu.memory_space<hbm>>
    tpu.enqueue_indirect_dma source(%dma_start3A_79 : memref<67108864xf32, #tpu.memory_space<hbm>>) target(%dma_start3A_74 : memref<128xf32, #tpu.memory_space<vmem>>) offsets(%dma_start3A_77 : memref<128xi32, #tpu.memory_space<vmem>>) semaphore(%arg10 : memref<!tpu.dma_semaphore, #tpu.memory_space<semaphore_mem>>)
    %dma_wait3A_80 = arith.constant 0 : i32
    %dma_wait3A_81 = arith.constant 0 : i32
    %dma_wait3A_82 = arith.constant 0 : i32
    %dma_wait3A_83 = tpu.memref_slice %arg8[%dma_wait3A_81, %dma_wait3A_82] : memref<4x128xf32, #tpu.memory_space<vmem>> -> memref<1x128xf32, #tpu.memory_space<vmem>>
    %dma_wait3A_84 = tpu.memref_squeeze %dma_wait3A_83 : memref<1x128xf32, #tpu.memory_space<vmem>> -> memref<128xf32, #tpu.memory_space<vmem>>
    %dma_wait3A_85 = arith.constant 0 : i32
    %dma_wait3A_86 = tpu.memref_slice %arg7[%dma_wait3A_80, %dma_wait3A_85] : memref<4x128xi32, #tpu.memory_space<vmem>> -> memref<1x128xi32, #tpu.memory_space<vmem>>
    %dma_wait3A_87 = tpu.memref_squeeze %dma_wait3A_86 : memref<1x128xi32, #tpu.memory_space<vmem>> -> memref<128xi32, #tpu.memory_space<vmem>>
    %dma_wait3A_88 = arith.constant 0 : i32
    %dma_wait3A_89 = tpu.memref_slice %arg2[%dma_wait3A_88] : memref<67108864xf32, #tpu.memory_space<hbm>> -> memref<67108864xf32, #tpu.memory_space<hbm>>
    tpu.wait_indirect_dma semaphore(%arg10 : memref<!tpu.dma_semaphore, #tpu.memory_space<semaphore_mem>>) src(%dma_wait3A_89 : memref<67108864xf32, #tpu.memory_space<hbm>>) dst(%dma_wait3A_84 : memref<128xf32, #tpu.memory_space<vmem>>)
    %add3A_90 = arith.constant 0 : i32
    %add3A_91 = arith.addi %mul3A_2, %add3A_90 : i32
    %dma_start3A_92 = arith.constant 0 : i32
    %dma_start3A_93 = arith.constant 0 : i32
    %dma_start3A_94 = tpu.memref_slice %arg8[%dma_start3A_92, %dma_start3A_93] : memref<4x128xf32, #tpu.memory_space<vmem>> -> memref<1x128xf32, #tpu.memory_space<vmem>>
    %dma_start3A_95 = tpu.memref_squeeze %dma_start3A_94 : memref<1x128xf32, #tpu.memory_space<vmem>> -> memref<128xf32, #tpu.memory_space<vmem>>
    %dma_start3A_96 = arith.constant 0 : i32
    %dma_start3A_97 = tpu.memref_slice %arg5[%add3A_91, %dma_start3A_96] : memref<128x128xf32, #tpu.memory_space<hbm>> -> memref<1x128xf32, #tpu.memory_space<hbm>>
    %dma_start3A_98 = tpu.memref_squeeze %dma_start3A_97 : memref<1x128xf32, #tpu.memory_space<hbm>> -> memref<128xf32, #tpu.memory_space<hbm>>
    %dma_start3A_99 = arith.constant 0 : i32
    %dma_start3A_100 = tpu.memref_slice %arg5[%add3A_91, %dma_start3A_99] : memref<128x128xf32, #tpu.memory_space<hbm>> -> memref<1x128xf32, #tpu.memory_space<hbm>>
    %dma_start3A_101 = tpu.memref_squeeze %dma_start3A_100 : memref<1x128xf32, #tpu.memory_space<hbm>> -> memref<128xf32, #tpu.memory_space<hbm>>
    %dma_start3A_102 = arith.constant 0 : i32
    %dma_start3A_103 = tpu.memref_slice %arg8[%dma_start3A_92, %dma_start3A_102] : memref<4x128xf32, #tpu.memory_space<vmem>> -> memref<1x128xf32, #tpu.memory_space<vmem>>
    %dma_start3A_104 = tpu.memref_squeeze %dma_start3A_103 : memref<1x128xf32, #tpu.memory_space<vmem>> -> memref<128xf32, #tpu.memory_space<vmem>>
    tpu.enqueue_dma source(%dma_start3A_104 : memref<128xf32, #tpu.memory_space<vmem>>) target(%dma_start3A_101 : memref<128xf32, #tpu.memory_space<hbm>>) target_semaphore(%arg9 : memref<!tpu.dma_semaphore, #tpu.memory_space<semaphore_mem>>)
    %dma_wait3A_105 = arith.constant 1 : i32
    %dma_wait3A_106 = arith.constant 1 : i32
    %dma_wait3A_107 = arith.constant 0 : i32
    %dma_wait3A_108 = tpu.memref_slice %arg8[%dma_wait3A_106, %dma_wait3A_107] : memref<4x128xf32, #tpu.memory_space<vmem>> -> memref<1x128xf32, #tpu.memory_space<vmem>>
    %dma_wait3A_109 = tpu.memref_squeeze %dma_wait3A_108 : memref<1x128xf32, #tpu.memory_space<vmem>> -> memref<128xf32, #tpu.memory_space<vmem>>
    %dma_wait3A_110 = arith.constant 0 : i32
    %dma_wait3A_111 = tpu.memref_slice %arg7[%dma_wait3A_105, %dma_wait3A_110] : memref<4x128xi32, #tpu.memory_space<vmem>> -> memref<1x128xi32, #tpu.memory_space<vmem>>
    %dma_wait3A_112 = tpu.memref_squeeze %dma_wait3A_111 : memref<1x128xi32, #tpu.memory_space<vmem>> -> memref<128xi32, #tpu.memory_space<vmem>>
    %dma_wait3A_113 = arith.constant 0 : i32
    %dma_wait3A_114 = tpu.memref_slice %arg2[%dma_wait3A_113] : memref<67108864xf32, #tpu.memory_space<hbm>> -> memref<67108864xf32, #tpu.memory_space<hbm>>
    tpu.wait_indirect_dma semaphore(%arg10 : memref<!tpu.dma_semaphore, #tpu.memory_space<semaphore_mem>>) src(%dma_wait3A_114 : memref<67108864xf32, #tpu.memory_space<hbm>>) dst(%dma_wait3A_109 : memref<128xf32, #tpu.memory_space<vmem>>)
    %add3A_115 = arith.constant 1 : i32
    %add3A_116 = arith.addi %mul3A_2, %add3A_115 : i32
    %dma_start3A_117 = arith.constant 1 : i32
    %dma_start3A_118 = arith.constant 0 : i32
    %dma_start3A_119 = tpu.memref_slice %arg8[%dma_start3A_117, %dma_start3A_118] : memref<4x128xf32, #tpu.memory_space<vmem>> -> memref<1x128xf32, #tpu.memory_space<vmem>>
    %dma_start3A_120 = tpu.memref_squeeze %dma_start3A_119 : memref<1x128xf32, #tpu.memory_space<vmem>> -> memref<128xf32, #tpu.memory_space<vmem>>
    %dma_start3A_121 = arith.constant 0 : i32
    %dma_start3A_122 = tpu.memref_slice %arg5[%add3A_116, %dma_start3A_121] : memref<128x128xf32, #tpu.memory_space<hbm>> -> memref<1x128xf32, #tpu.memory_space<hbm>>
    %dma_start3A_123 = tpu.memref_squeeze %dma_start3A_122 : memref<1x128xf32, #tpu.memory_space<hbm>> -> memref<128xf32, #tpu.memory_space<hbm>>
    %dma_start3A_124 = arith.constant 0 : i32
    %dma_start3A_125 = tpu.memref_slice %arg5[%add3A_116, %dma_start3A_124] : memref<128x128xf32, #tpu.memory_space<hbm>> -> memref<1x128xf32, #tpu.memory_space<hbm>>
    %dma_start3A_126 = tpu.memref_squeeze %dma_start3A_125 : memref<1x128xf32, #tpu.memory_space<hbm>> -> memref<128xf32, #tpu.memory_space<hbm>>
    %dma_start3A_127 = arith.constant 0 : i32
    %dma_start3A_128 = tpu.memref_slice %arg8[%dma_start3A_117, %dma_start3A_127] : memref<4x128xf32, #tpu.memory_space<vmem>> -> memref<1x128xf32, #tpu.memory_space<vmem>>
    %dma_start3A_129 = tpu.memref_squeeze %dma_start3A_128 : memref<1x128xf32, #tpu.memory_space<vmem>> -> memref<128xf32, #tpu.memory_space<vmem>>
    tpu.enqueue_dma source(%dma_start3A_129 : memref<128xf32, #tpu.memory_space<vmem>>) target(%dma_start3A_126 : memref<128xf32, #tpu.memory_space<hbm>>) target_semaphore(%arg9 : memref<!tpu.dma_semaphore, #tpu.memory_space<semaphore_mem>>)
    %dma_wait3A_130 = arith.constant 2 : i32
    %dma_wait3A_131 = arith.constant 2 : i32
    %dma_wait3A_132 = arith.constant 0 : i32
    %dma_wait3A_133 = tpu.memref_slice %arg8[%dma_wait3A_131, %dma_wait3A_132] : memref<4x128xf32, #tpu.memory_space<vmem>> -> memref<1x128xf32, #tpu.memory_space<vmem>>
    %dma_wait3A_134 = tpu.memref_squeeze %dma_wait3A_133 : memref<1x128xf32, #tpu.memory_space<vmem>> -> memref<128xf32, #tpu.memory_space<vmem>>
    %dma_wait3A_135 = arith.constant 0 : i32
    %dma_wait3A_136 = tpu.memref_slice %arg7[%dma_wait3A_130, %dma_wait3A_135] : memref<4x128xi32, #tpu.memory_space<vmem>> -> memref<1x128xi32, #tpu.memory_space<vmem>>
    %dma_wait3A_137 = tpu.memref_squeeze %dma_wait3A_136 : memref<1x128xi32, #tpu.memory_space<vmem>> -> memref<128xi32, #tpu.memory_space<vmem>>
    %dma_wait3A_138 = arith.constant 0 : i32
    %dma_wait3A_139 = tpu.memref_slice %arg2[%dma_wait3A_138] : memref<67108864xf32, #tpu.memory_space<hbm>> -> memref<67108864xf32, #tpu.memory_space<hbm>>
    tpu.wait_indirect_dma semaphore(%arg10 : memref<!tpu.dma_semaphore, #tpu.memory_space<semaphore_mem>>) src(%dma_wait3A_139 : memref<67108864xf32, #tpu.memory_space<hbm>>) dst(%dma_wait3A_134 : memref<128xf32, #tpu.memory_space<vmem>>)
    %add3A_140 = arith.constant 2 : i32
    %add3A_141 = arith.addi %mul3A_2, %add3A_140 : i32
    %dma_start3A_142 = arith.constant 2 : i32
    %dma_start3A_143 = arith.constant 0 : i32
    %dma_start3A_144 = tpu.memref_slice %arg8[%dma_start3A_142, %dma_start3A_143] : memref<4x128xf32, #tpu.memory_space<vmem>> -> memref<1x128xf32, #tpu.memory_space<vmem>>
    %dma_start3A_145 = tpu.memref_squeeze %dma_start3A_144 : memref<1x128xf32, #tpu.memory_space<vmem>> -> memref<128xf32, #tpu.memory_space<vmem>>
    %dma_start3A_146 = arith.constant 0 : i32
    %dma_start3A_147 = tpu.memref_slice %arg5[%add3A_141, %dma_start3A_146] : memref<128x128xf32, #tpu.memory_space<hbm>> -> memref<1x128xf32, #tpu.memory_space<hbm>>
    %dma_start3A_148 = tpu.memref_squeeze %dma_start3A_147 : memref<1x128xf32, #tpu.memory_space<hbm>> -> memref<128xf32, #tpu.memory_space<hbm>>
    %dma_start3A_149 = arith.constant 0 : i32
    %dma_start3A_150 = tpu.memref_slice %arg5[%add3A_141, %dma_start3A_149] : memref<128x128xf32, #tpu.memory_space<hbm>> -> memref<1x128xf32, #tpu.memory_space<hbm>>
    %dma_start3A_151 = tpu.memref_squeeze %dma_start3A_150 : memref<1x128xf32, #tpu.memory_space<hbm>> -> memref<128xf32, #tpu.memory_space<hbm>>
    %dma_start3A_152 = arith.constant 0 : i32
    %dma_start3A_153 = tpu.memref_slice %arg8[%dma_start3A_142, %dma_start3A_152] : memref<4x128xf32, #tpu.memory_space<vmem>> -> memref<1x128xf32, #tpu.memory_space<vmem>>
    %dma_start3A_154 = tpu.memref_squeeze %dma_start3A_153 : memref<1x128xf32, #tpu.memory_space<vmem>> -> memref<128xf32, #tpu.memory_space<vmem>>
    tpu.enqueue_dma source(%dma_start3A_154 : memref<128xf32, #tpu.memory_space<vmem>>) target(%dma_start3A_151 : memref<128xf32, #tpu.memory_space<hbm>>) target_semaphore(%arg9 : memref<!tpu.dma_semaphore, #tpu.memory_space<semaphore_mem>>)
    %dma_wait3A_155 = arith.constant 3 : i32
    %dma_wait3A_156 = arith.constant 3 : i32
    %dma_wait3A_157 = arith.constant 0 : i32
    %dma_wait3A_158 = tpu.memref_slice %arg8[%dma_wait3A_156, %dma_wait3A_157] : memref<4x128xf32, #tpu.memory_space<vmem>> -> memref<1x128xf32, #tpu.memory_space<vmem>>
    %dma_wait3A_159 = tpu.memref_squeeze %dma_wait3A_158 : memref<1x128xf32, #tpu.memory_space<vmem>> -> memref<128xf32, #tpu.memory_space<vmem>>
    %dma_wait3A_160 = arith.constant 0 : i32
    %dma_wait3A_161 = tpu.memref_slice %arg7[%dma_wait3A_155, %dma_wait3A_160] : memref<4x128xi32, #tpu.memory_space<vmem>> -> memref<1x128xi32, #tpu.memory_space<vmem>>
    %dma_wait3A_162 = tpu.memref_squeeze %dma_wait3A_161 : memref<1x128xi32, #tpu.memory_space<vmem>> -> memref<128xi32, #tpu.memory_space<vmem>>
    %dma_wait3A_163 = arith.constant 0 : i32
    %dma_wait3A_164 = tpu.memref_slice %arg2[%dma_wait3A_163] : memref<67108864xf32, #tpu.memory_space<hbm>> -> memref<67108864xf32, #tpu.memory_space<hbm>>
    tpu.wait_indirect_dma semaphore(%arg10 : memref<!tpu.dma_semaphore, #tpu.memory_space<semaphore_mem>>) src(%dma_wait3A_164 : memref<67108864xf32, #tpu.memory_space<hbm>>) dst(%dma_wait3A_159 : memref<128xf32, #tpu.memory_space<vmem>>)
    %add3A_165 = arith.constant 3 : i32
    %add3A_166 = arith.addi %mul3A_2, %add3A_165 : i32
    %dma_start3A_167 = arith.constant 3 : i32
    %dma_start3A_168 = arith.constant 0 : i32
    %dma_start3A_169 = tpu.memref_slice %arg8[%dma_start3A_167, %dma_start3A_168] : memref<4x128xf32, #tpu.memory_space<vmem>> -> memref<1x128xf32, #tpu.memory_space<vmem>>
    %dma_start3A_170 = tpu.memref_squeeze %dma_start3A_169 : memref<1x128xf32, #tpu.memory_space<vmem>> -> memref<128xf32, #tpu.memory_space<vmem>>
    %dma_start3A_171 = arith.constant 0 : i32
    %dma_start3A_172 = tpu.memref_slice %arg5[%add3A_166, %dma_start3A_171] : memref<128x128xf32, #tpu.memory_space<hbm>> -> memref<1x128xf32, #tpu.memory_space<hbm>>
    %dma_start3A_173 = tpu.memref_squeeze %dma_start3A_172 : memref<1x128xf32, #tpu.memory_space<hbm>> -> memref<128xf32, #tpu.memory_space<hbm>>
    %dma_start3A_174 = arith.constant 0 : i32
    %dma_start3A_175 = tpu.memref_slice %arg5[%add3A_166, %dma_start3A_174] : memref<128x128xf32, #tpu.memory_space<hbm>> -> memref<1x128xf32, #tpu.memory_space<hbm>>
    %dma_start3A_176 = tpu.memref_squeeze %dma_start3A_175 : memref<1x128xf32, #tpu.memory_space<hbm>> -> memref<128xf32, #tpu.memory_space<hbm>>
    %dma_start3A_177 = arith.constant 0 : i32
    %dma_start3A_178 = tpu.memref_slice %arg8[%dma_start3A_167, %dma_start3A_177] : memref<4x128xf32, #tpu.memory_space<vmem>> -> memref<1x128xf32, #tpu.memory_space<vmem>>
    %dma_start3A_179 = tpu.memref_squeeze %dma_start3A_178 : memref<1x128xf32, #tpu.memory_space<vmem>> -> memref<128xf32, #tpu.memory_space<vmem>>
    tpu.enqueue_dma source(%dma_start3A_179 : memref<128xf32, #tpu.memory_space<vmem>>) target(%dma_start3A_176 : memref<128xf32, #tpu.memory_space<hbm>>) target_semaphore(%arg9 : memref<!tpu.dma_semaphore, #tpu.memory_space<semaphore_mem>>)
    %dma_wait3A_180 = arith.constant 0 : i32
    %dma_wait3A_181 = arith.constant 0 : i32
    %dma_wait3A_182 = tpu.memref_slice %arg8[%dma_wait3A_180, %dma_wait3A_181] : memref<4x128xf32, #tpu.memory_space<vmem>> -> memref<1x128xf32, #tpu.memory_space<vmem>>
    %dma_wait3A_183 = tpu.memref_squeeze %dma_wait3A_182 : memref<1x128xf32, #tpu.memory_space<vmem>> -> memref<128xf32, #tpu.memory_space<vmem>>
    %dma_wait3A_184 = arith.constant 0 : i32
    %dma_wait3A_185 = tpu.memref_slice %arg5[%add3A_91, %dma_wait3A_184] : memref<128x128xf32, #tpu.memory_space<hbm>> -> memref<1x128xf32, #tpu.memory_space<hbm>>
    %dma_wait3A_186 = tpu.memref_squeeze %dma_wait3A_185 : memref<1x128xf32, #tpu.memory_space<hbm>> -> memref<128xf32, #tpu.memory_space<hbm>>
    %dma_wait3A_187 = arith.constant 0 : i32
    %dma_wait3A_188 = tpu.memref_slice %arg5[%add3A_91, %dma_wait3A_187] : memref<128x128xf32, #tpu.memory_space<hbm>> -> memref<1x128xf32, #tpu.memory_space<hbm>>
    %dma_wait3A_189 = tpu.memref_squeeze %dma_wait3A_188 : memref<1x128xf32, #tpu.memory_space<hbm>> -> memref<128xf32, #tpu.memory_space<hbm>>
    %dma_wait3A_190 = arith.constant 0 : i32
    %dma_wait3A_191 = tpu.memref_slice %arg8[%dma_wait3A_180, %dma_wait3A_190] : memref<4x128xf32, #tpu.memory_space<vmem>> -> memref<1x128xf32, #tpu.memory_space<vmem>>
    %dma_wait3A_192 = tpu.memref_squeeze %dma_wait3A_191 : memref<1x128xf32, #tpu.memory_space<vmem>> -> memref<128xf32, #tpu.memory_space<vmem>>
    tpu.wait_dma2 semaphore(%arg9 : memref<!tpu.dma_semaphore, #tpu.memory_space<semaphore_mem>>) src(%dma_wait3A_192 : memref<128xf32, #tpu.memory_space<vmem>>) dst(%dma_wait3A_189 : memref<128xf32, #tpu.memory_space<hbm>>)
    %dma_wait3A_193 = arith.constant 1 : i32
    %dma_wait3A_194 = arith.constant 0 : i32
    %dma_wait3A_195 = tpu.memref_slice %arg8[%dma_wait3A_193, %dma_wait3A_194] : memref<4x128xf32, #tpu.memory_space<vmem>> -> memref<1x128xf32, #tpu.memory_space<vmem>>
    %dma_wait3A_196 = tpu.memref_squeeze %dma_wait3A_195 : memref<1x128xf32, #tpu.memory_space<vmem>> -> memref<128xf32, #tpu.memory_space<vmem>>
    %dma_wait3A_197 = arith.constant 0 : i32
    %dma_wait3A_198 = tpu.memref_slice %arg5[%add3A_116, %dma_wait3A_197] : memref<128x128xf32, #tpu.memory_space<hbm>> -> memref<1x128xf32, #tpu.memory_space<hbm>>
    %dma_wait3A_199 = tpu.memref_squeeze %dma_wait3A_198 : memref<1x128xf32, #tpu.memory_space<hbm>> -> memref<128xf32, #tpu.memory_space<hbm>>
    %dma_wait3A_200 = arith.constant 0 : i32
    %dma_wait3A_201 = tpu.memref_slice %arg5[%add3A_116, %dma_wait3A_200] : memref<128x128xf32, #tpu.memory_space<hbm>> -> memref<1x128xf32, #tpu.memory_space<hbm>>
    %dma_wait3A_202 = tpu.memref_squeeze %dma_wait3A_201 : memref<1x128xf32, #tpu.memory_space<hbm>> -> memref<128xf32, #tpu.memory_space<hbm>>
    %dma_wait3A_203 = arith.constant 0 : i32
    %dma_wait3A_204 = tpu.memref_slice %arg8[%dma_wait3A_193, %dma_wait3A_203] : memref<4x128xf32, #tpu.memory_space<vmem>> -> memref<1x128xf32, #tpu.memory_space<vmem>>
    %dma_wait3A_205 = tpu.memref_squeeze %dma_wait3A_204 : memref<1x128xf32, #tpu.memory_space<vmem>> -> memref<128xf32, #tpu.memory_space<vmem>>
    tpu.wait_dma2 semaphore(%arg9 : memref<!tpu.dma_semaphore, #tpu.memory_space<semaphore_mem>>) src(%dma_wait3A_205 : memref<128xf32, #tpu.memory_space<vmem>>) dst(%dma_wait3A_202 : memref<128xf32, #tpu.memory_space<hbm>>)
    %dma_wait3A_206 = arith.constant 2 : i32
    %dma_wait3A_207 = arith.constant 0 : i32
    %dma_wait3A_208 = tpu.memref_slice %arg8[%dma_wait3A_206, %dma_wait3A_207] : memref<4x128xf32, #tpu.memory_space<vmem>> -> memref<1x128xf32, #tpu.memory_space<vmem>>
    %dma_wait3A_209 = tpu.memref_squeeze %dma_wait3A_208 : memref<1x128xf32, #tpu.memory_space<vmem>> -> memref<128xf32, #tpu.memory_space<vmem>>
    %dma_wait3A_210 = arith.constant 0 : i32
    %dma_wait3A_211 = tpu.memref_slice %arg5[%add3A_141, %dma_wait3A_210] : memref<128x128xf32, #tpu.memory_space<hbm>> -> memref<1x128xf32, #tpu.memory_space<hbm>>
    %dma_wait3A_212 = tpu.memref_squeeze %dma_wait3A_211 : memref<1x128xf32, #tpu.memory_space<hbm>> -> memref<128xf32, #tpu.memory_space<hbm>>
    %dma_wait3A_213 = arith.constant 0 : i32
    %dma_wait3A_214 = tpu.memref_slice %arg5[%add3A_141, %dma_wait3A_213] : memref<128x128xf32, #tpu.memory_space<hbm>> -> memref<1x128xf32, #tpu.memory_space<hbm>>
    %dma_wait3A_215 = tpu.memref_squeeze %dma_wait3A_214 : memref<1x128xf32, #tpu.memory_space<hbm>> -> memref<128xf32, #tpu.memory_space<hbm>>
    %dma_wait3A_216 = arith.constant 0 : i32
    %dma_wait3A_217 = tpu.memref_slice %arg8[%dma_wait3A_206, %dma_wait3A_216] : memref<4x128xf32, #tpu.memory_space<vmem>> -> memref<1x128xf32, #tpu.memory_space<vmem>>
    %dma_wait3A_218 = tpu.memref_squeeze %dma_wait3A_217 : memref<1x128xf32, #tpu.memory_space<vmem>> -> memref<128xf32, #tpu.memory_space<vmem>>
    tpu.wait_dma2 semaphore(%arg9 : memref<!tpu.dma_semaphore, #tpu.memory_space<semaphore_mem>>) src(%dma_wait3A_218 : memref<128xf32, #tpu.memory_space<vmem>>) dst(%dma_wait3A_215 : memref<128xf32, #tpu.memory_space<hbm>>)
    %dma_wait3A_219 = arith.constant 3 : i32
    %dma_wait3A_220 = arith.constant 0 : i32
    %dma_wait3A_221 = tpu.memref_slice %arg8[%dma_wait3A_219, %dma_wait3A_220] : memref<4x128xf32, #tpu.memory_space<vmem>> -> memref<1x128xf32, #tpu.memory_space<vmem>>
    %dma_wait3A_222 = tpu.memref_squeeze %dma_wait3A_221 : memref<1x128xf32, #tpu.memory_space<vmem>> -> memref<128xf32, #tpu.memory_space<vmem>>
    %dma_wait3A_223 = arith.constant 0 : i32
    %dma_wait3A_224 = tpu.memref_slice %arg5[%add3A_166, %dma_wait3A_223] : memref<128x128xf32, #tpu.memory_space<hbm>> -> memref<1x128xf32, #tpu.memory_space<hbm>>
    %dma_wait3A_225 = tpu.memref_squeeze %dma_wait3A_224 : memref<1x128xf32, #tpu.memory_space<hbm>> -> memref<128xf32, #tpu.memory_space<hbm>>
    %dma_wait3A_226 = arith.constant 0 : i32
    %dma_wait3A_227 = tpu.memref_slice %arg5[%add3A_166, %dma_wait3A_226] : memref<128x128xf32, #tpu.memory_space<hbm>> -> memref<1x128xf32, #tpu.memory_space<hbm>>
    %dma_wait3A_228 = tpu.memref_squeeze %dma_wait3A_227 : memref<1x128xf32, #tpu.memory_space<hbm>> -> memref<128xf32, #tpu.memory_space<hbm>>
    %dma_wait3A_229 = arith.constant 0 : i32
    %dma_wait3A_230 = tpu.memref_slice %arg8[%dma_wait3A_219, %dma_wait3A_229] : memref<4x128xf32, #tpu.memory_space<vmem>> -> memref<1x128xf32, #tpu.memory_space<vmem>>
    %dma_wait3A_231 = tpu.memref_squeeze %dma_wait3A_230 : memref<1x128xf32, #tpu.memory_space<vmem>> -> memref<128xf32, #tpu.memory_space<vmem>>
    tpu.wait_dma2 semaphore(%arg9 : memref<!tpu.dma_semaphore, #tpu.memory_space<semaphore_mem>>) src(%dma_wait3A_231 : memref<128xf32, #tpu.memory_space<vmem>>) dst(%dma_wait3A_228 : memref<128xf32, #tpu.memory_space<hbm>>)
    return
  }
}

</mosaic_0001>

<sc_bundles>
// kernel: kernel.3.cloned.1.call-start
scs
__scs_entry_jumppad:
0x0: {  	(pc) =	sbr.rel $0x88, $3  }
0x1: {  	(tag) =	ssettag $0x0;
	lr =	simm.s32 $0x1  }
0x2: {  	[smem:$0x3F9E] =	sst lr;
	_ =	strace $0xD0000000  }
0x3: {  	_ = 	snop  }
0x4: {  	_ = 	snop  }
0x5: {  	_ = 	snop  }
0x6: {  	_ = 	snop  }
0x7: {  	_ = 	snop  }
__scs_overlays_trampoline_lowered:
0x8: {  	[smem:$0x3FAD] =	sst s0  }
0x9: {  	[smem:$0x3FAE] =	sst s1  }
0xa: {  	[smem:$0x3FAF] =	sst s2  }
0xb: {  	[smem:$0x3FB0] =	sst s3  }
0xc: {  	[smem:$0x3FB1] =	sst s4  }
0xd: {  	[smem:$0x3FB2] =	sst s5  }
0xe: {  	[smem:$0x3FB3] =	sst s6  }
0xf: {  	[smem:$0x3FB4] =	sst s7  }
0x10: {  	[smem:$0x3FB5] =	sst s8  }
0x11: {  	[smem:$0x3FB6] =	sst s9;
	s0 =	simm.s32 @!p0 $0x0  }
0x12: {  	s1 =	sld [smem:$0x3F9C];
	s0 =	simm.s32 @p0 $0x1  }
0x13: {  	[smem:$0x3FB7] =	sst s0;
	s0 =	simm.s32 @!p1 $0x0  }
0x14: {  	s2 =	sld [smem:$0x3F9B];
	s0 =	simm.s32 @p1 $0x1  }
0x15: {  	[smem:$0x3FB8] =	sst s0;
	s0 =	simm.s32 @!p2 $0x0  }
0x16: {  	s3 =	sld [smem:$0x3FDB];
	s0 =	simm.s32 @p2 $0x1  }
0x17: {  	s4 =	simm.s32 $0x1BF5;
	[smem:$0x3FBA] =	sst s0  }
0x18: {  	s0 =	sld [smem:$0x3F9D];
	_ =	swait.ge [sflag:s4], $0x0  }
0x19: {  	s7 =	sld [smem:$0x3F9E]  }
0x1a: {  	s8 =	sadd.s32 $0xFFFFE003, lr  }
0x1b: {  	s9 =	sadd.s32 $0xFFFFFEF7, lr;
	s5 =	simm.s32 $0xFFFFFFFF;
	p2 =	slt.u32 s8, $0xFFFFF086  }
0x1c: {  	p1 =	slt.u32 s9, $0xF7A;
	s5 =	simm.s32 @!p2 $0x0  }
0x1d: {  	s5 =	simm.s32 @p1 $0x1;
	p0 =	seq.s32 s7, s2  }
0x1e: {  	s7 =	smul.u32 @!p0 $0xF7A, s2;
	p2 =	seq.s32 @!p0 s5, $0x0  }
0x1f: {  	s9 =	smul.u32 $0xF7A, s1;
	s8 =	simm.s32 @!p0 $0x1BF5;
	p2 =	por !p2, p0  }
0x20: {  	[sflag:s8] =	ssyncset.s32 @!p0 $0xFFFFF086;
	s6 =	sadd.s32 @!p0 s3, s7;
	s7 =	simm.s32 @!p0 $0x108  }
0x21: {  	s3 =	sadd.s32 s3, s9;
	s6 =	sadd.s32 @!p0 $0x88, s6;
	s7 =	simm.s32 @p2 $0x1082  }
0x22: {  	[simem:s7], [sflag:s8] =	dma.local @!p0 [hbm:s6], $0xF7A  }
0x23: {  	s9 =	sor.u32 $0xD0000000, s2;
	s6 =	simm.s32 $0x108;
	_ =	swait.ge @!p0 [sflag:s8], $0x0  }
0x24: {  	s3 =	sadd.s32 $0x88, s3;
	s6 =	simm.s32 @!p1 $0x1082;
	[sflag:s4] =	ssyncset.s32 $0xFFFFF086  }
0x25: {  	[simem:s6], [sflag:s4] =	dma.local [hbm:s3], $0xF7A  }
0x26: {  	[smem:$0x3F9E] =	sst s1;
	(tag) =	ssettag s2;
	_ =	strace s9  }
0x27: {  	s1 =	sld [smem:$0x3FAE]  }
0x28: {  	s2 =	sld [smem:$0x3FAF]  }
0x29: {  	s4 =	sld [smem:$0x3FB1]  }
0x2a: {  	p0 =	seq.s32 s5, $0x0;
	s5 =	sld [smem:$0x3FB2]  }
0x2b: {  	s6 =	sld [smem:$0x3FB3]  }
0x2c: {  	s7 =	sld [smem:$0x3FB4]  }
0x2d: {  	s3 =	simm.s32 $0x108;
	s8 =	sld [smem:$0x3FB5]  }
0x2e: {  	s3 =	simm.s32 @!p0 $0x1082;
	s9 =	sld [smem:$0x3FB6]  }
0x2f: {  	lr =	sadd.s32 s0, s3;
	s0 =	sld [smem:$0x3FAD]  }
0x30: {  	s3 =	sld [smem:$0x3FB0]  }
0x31: {  	[smem:$0x3FB9] =	sst s10  }
0x32: {  	s10 =	sld [smem:$0x3FB7];
	_ =	sdelay $0x3  }
0x33: {  	p0 =	seq.s32 s10, $0x1;
	s10 =	sld [smem:$0x3FB9];
	_ =	sdelay $0x3  }
0x34: {  	[smem:$0x3FB9] =	sst s10  }
0x35: {  	s10 =	sld [smem:$0x3FB8];
	_ =	sdelay $0x3  }
0x36: {  	p1 =	seq.s32 s10, $0x1;
	s10 =	sld [smem:$0x3FB9];
	_ =	sdelay $0x3  }
0x37: {  	[smem:$0x3FB9] =	sst s10  }
0x38: {  	s10 =	sld [smem:$0x3FBA]  }
0x39: {  	_ = 	snop;
	(pc) =	sbr.ind lr, $3  }
0x3a: {  	_ = 	snop  }
0x3b: {  	_ = 	snop  }
0x3c: {  	p2 =	seq.s32 s10, $0x1;
	s10 =	sld [smem:$0x3FB9]  }
0x3d: {  	_ =	shalt  }
0x3e: {  	_ =	shalt  }
0x3f: {  	_ =	shalt  }
0x40: {  	_ =	shalt  }
0x41: {  	_ =	shalt  }
0x42: {  	_ =	shalt  }
0x43: {  	_ =	shalt  }
0x44: {  	_ =	shalt  }
0x45: {  	_ =	shalt  }
0x46: {  	_ =	shalt  }
0x47: {  	_ =	shalt  }
0x48: {  	_ =	shalt  }
0x49: {  	_ =	shalt  }
0x4a: {  	_ =	shalt  }
0x4b: {  	_ =	shalt  }
0x4c: {  	_ =	shalt  }
0x4d: {  	_ =	shalt  }
0x4e: {  	_ =	shalt  }
0x4f: {  	_ =	shalt  }
0x50: {  	_ =	shalt  }
0x51: {  	_ =	shalt  }
0x52: {  	_ =	shalt  }
0x53: {  	_ =	shalt  }
0x54: {  	_ =	shalt  }
0x55: {  	_ =	shalt  }
0x56: {  	_ =	shalt  }
0x57: {  	_ =	shalt  }
0x58: {  	_ =	shalt  }
0x59: {  	_ =	shalt  }
0x5a: {  	_ =	shalt  }
0x5b: {  	_ =	shalt  }
0x5c: {  	_ =	shalt  }
0x5d: {  	_ =	shalt  }
0x5e: {  	_ =	shalt  }
0x5f: {  	_ =	shalt  }
0x60: {  	_ =	shalt  }
0x61: {  	_ =	shalt  }
0x62: {  	_ =	shalt  }
0x63: {  	_ =	shalt  }
0x64: {  	_ =	shalt  }
0x65: {  	_ =	shalt  }
0x66: {  	_ =	shalt  }
0x67: {  	_ =	shalt  }
0x68: {  	_ =	shalt  }
0x69: {  	_ =	shalt  }
0x6a: {  	_ =	shalt  }
0x6b: {  	_ =	shalt  }
0x6c: {  	_ =	shalt  }
0x6d: {  	_ =	shalt  }
0x6e: {  	_ =	shalt  }
0x6f: {  	_ =	shalt  }
0x70: {  	_ =	shalt  }
0x71: {  	_ =	shalt  }
0x72: {  	_ =	shalt  }
0x73: {  	_ =	shalt  }
0x74: {  	_ =	shalt  }
0x75: {  	_ =	shalt  }
0x76: {  	_ =	shalt  }
0x77: {  	_ =	shalt  }
0x78: {  	_ =	shalt  }
0x79: {  	_ =	shalt  }
0x7a: {  	_ =	shalt  }
0x7b: {  	_ =	shalt  }
0x7c: {  	_ =	shalt  }
0x7d: {  	_ =	shalt  }
0x7e: {  	_ =	shalt  }
0x7f: {  	_ =	shalt  }
0x80: {  	_ =	shalt  }
0x81: {  	_ =	shalt  }
0x82: {  	_ =	shalt  }
0x83: {  	_ =	shalt  }
0x84: {  	_ =	shalt  }
0x85: {  	_ =	shalt  }
0x86: {  	_ =	shalt  }
0x87: {  	_ =	shalt  }
.Lfunc_end0:
.L_simem_size_0:
called_computation_lowered:
.L_overlay_start_0:
0x88: {  	s2 =	sld [smem:$0x3FD9]  }
0x89: {  	s3 =	sld [smem:$0x3FFE];
	_ =	sdelay $0x1  }
0x8a: {  	s1 =	srdreg.scid  }
0x8b: {  	s0 =	sand.u32 $0x1, s1  }
0x8c: {  	s18 =	sshll.u32 s0, $0xA;
	s2 =	sadd.s32 s3, s2  }
0x8d: {  	s2 =	sadd.s32 s2, s18  }
0x8e: {  	[smem:$0x3FC5] =	sst s2  }
0x8f: {  	_ = 	snop  }
0x90: {  	s2 =	sld [smem:$0x3FC9]  }
0x91: {  	s19 =	sld [smem:$0x3FC8]  }
0x92: {  	s4 =	sld [smem:$0x3FC7]  }
0x93: {  	s5 =	sld [smem:$0x3FD0];
	(tm) =	ssettm $0x1  }
0x94: {  	s6 =	sld [smem:$0x3FFB];
	_ =	sdelay $0x3  }
0x95: {  	_ =	strace s6  }
0x96: {  	s6 =	sld [smem:$0x3FFC];
	_ =	sdelay $0x3  }
0x97: {  	_ =	strace s6  }
0x98: {  	s6 =	sld [smem:$0x3FFD];
	_ =	sdelay $0x3  }
0x99: {  	_ =	strace s6  }
0x9a: {  	_ =	strace $0x8FFFFFFF  }
0x9b: {  	s20 =	sld [smem:$0x3FDB];
	_ =	sdelay $0x1  }
0x9c: {  	s7 =	simm.s32 $_scs_section_size  }
0x9d: {  	s8 =	simm.s32 $_size__tile_overlayer_lowered;
	s9 =	simm.s32 $_tile_overlayer_lowered  }
0x9e: {  	s23 =	simm.s32 $0x1BFF;
	s22 =	sshll.u32 s9, $0x1;
	s6 =	sadd.s32 s7, s20  }
0x9f: {  	s10 =	simm.s32 $0x0;
	s21 =	sshll.u32 s8, $0x1;
	s8 =	sadd.s32 s22, s6  }
0xa0: {  	[timem:s10], [sflag:s23] =	dma.local [hbm:s8], s21  }
0xa1: {  	_ =	swait.ge [sflag:s23], s21  }
0xa2: {  	s7 =	ssub.s32 $0x0, s21;
	[sflag:s23] =	ssyncset.done $0x0  }
0xa3: {  	[sflag:s23] =	ssyncadd.s32 s7;
	_ =	sdelay $0x1  }
0xa4: {  	s24 =	simm.s32 $0x1B8B  }
0xa5: {  	_ =	swait.ge [sflag:s24], $0x1  }
0xa6: {  	[sflag:s24] =	ssyncset.done $0x0  }
0xa7: {  	s25 =	simm.s32 $0x1B8E;
	[sflag:s24] =	ssyncadd.s32 $0xFFFFFFFF  }
0xa8: {  	s26 =	simm.s32 $execute0_lowered;
	[smem:$0x3FD2] =	sst s25  }
0xa9: {  	s7 =	sshll.u32 s26, $0x1;
	_ =	strace $0x80000046;
	[dreg:$0x1] =	wrdreg $0xFFFFFFFF  }
0xaa: {  	s28 =	simm.s32 $_size_execute0_lowered;
	s6 =	sadd.s32 s6, s7;
	[dreg:$0x0] =	wrdreg $0x0  }
0xab: {  	s7 =	sshll.u32 s28, $0x1;
	[dreg:$0x2] =	wrdreg s6  }
0xac: {  	[dreg:$0x3] =	wrdreg s7  }
0xad: {  	[dreg:$0x4] =	wrdreg $0xC0  }
0xae: {  	_ =	task [dreg:s10], $0x5FFFF  }
0xaf: {  	[dreg:$0x1] =	wrdreg $0xFFFFFFFF  }
0xb0: {  	[dreg:$0x0] =	wrdreg $0x60  }
0xb1: {  	[dreg:$0x2] =	wrdreg s2  }
0xb2: {  	[dreg:$0x3] =	wrdreg s19  }
0xb3: {  	[dreg:$0x4] =	wrdreg s4  }
0xb4: {  	[dreg:$0x5] =	wrdreg s5  }
0xb5: {  	[dreg:$0x6] =	wrdreg $0x9  }
0xb6: {  	_ =	task.clear_ibuf [dreg:s10], $0x7FFFF;
	_ =	strace $0x90000046  }
0xb7: {  	s29 =	simm.s32 $0x9;
	_ =	strace $0x80000048  }
0xb8: {  	_ =	swait.ge [sflag:s29], $0x1  }
0xb9: {  	[sflag:s29] =	ssyncadd.s32 $0xFFFFFFFF  }
0xba: {  	_ =	strace $0x90000048  }
0xbb: {  	_ =	sfence  }
0xbc: {  	s30 =	sld [smem:$0x0];
	_ =	sdelay $0x2  }
0xbd: {  	s31 =	sshll.u32 s1, $0xD;
	s1 =	sshrl.u32 s1, $0x2  }
0xbe: {  	s3 =	sand.u32 $0x4000, s31;
	s1 =	sadd.s32 s1, s30  }
0xbf: {  	s0 =	sor.u32 s3, s0;
	s1 =	sshll.u32 s1, $0x11  }
0xc0: {  	s0 =	sor.u32 s1, s0  }
0xc1: {  	s0 =	sadd.s32 $0x8F2B, s0  }
0xc2: {  	[sflag:s0] =	ssyncadd.remote.s32 $0x1  }
0xc3: {  	_ =	sfence.sel $0xFFFF  }
0xc4: {  	[dreg:$0x0] =	wrdreg $0xFFFFFFFF;
	(pc) =	sbr.abs _section_cstart, $3  }
0xc5: {  	[dreg:$0x1] =	wrdreg $0xFFFFFFFF  }
0xc6: {  	_ =	task.clear_ibuf [dreg:s10], $0x2FFFF;
	_ =	strace $0x9FFFFFFF  }
0xc7: {  	(tm) =	ssettm $0x7FFFFFFF  }
tec
execute0_lowered:
.L_overlay_start_1:
0x0: {  	(tag) =	ssettag $0x1  }
0x1: {  	s1 =	rddreg [dreg:$0x0]  }
0x2: {  	s4 =	rddreg [dreg:$0x1]  }
0x3: {  	s5 =	rddreg [dreg:$0x2]  }
0x4: {  	s6 =	rddreg [dreg:$0x3];
	s2 =	srdreg.scid  }
0x5: {  	s0 =	rddreg [dreg:$0x4];
	s3 =	simm.s32 $0x0;
	s12 =	simm.s32 $0x1  }
0x6: {  	s13 =	simm.s32 $0x80;
	s14 =	simm.s32 $0x400;
	s15 =	simm.s32 $0x280  }
0x7: {  	s16 =	simm.s32 $0x480;
	s17 =	simm.s32 $0x300;
	s18 =	simm.s32 $0x500  }
0x8: {  	s19 =	simm.s32 $0x380;
	s20 =	simm.s32 $0x580;
	s21 =	simm.s32 $0x2  }
0x9: {  	s7 =	sand.u32 $0x1, s2;
	[smem:$0x7FF] =	sst s3;
	s2 =	stileid.u32  }
0xa: {  	s8 =	ssub.s32 $0x2, s7;
	s10 =	sshll.u32 s2, $0x7;
	s7 =	sshll.u32 s7, $0x6  }
0xb: {  	_ =	strace $0x80000047;
	s9 =	sshrl.u32 s8, $0x1;
	s7 =	sor.u32 s7, s10  }
0xc: {  	s11 =	ssub.s32 s8, s9;
	s4 =	sadd.s32 s4, s7;
	s6 =	sadd.s32 s6, s7  }
0xd: {  	s5 =	sadd.s32 s5, s7;
	s7 =	sadd.s32 $0x10, s6;
	s8 =	sadd.s32 $0x20, s6  }
0xe: {  	s9 =	sadd.s32 $0x30, s6;
	s10 =	smax.u32 s11, $0x1;
	s11 =	simm.s32 $0x200  }
.LBB2_1:
0xf: {  	[tilespmem:s3], [sflag:$0x1] =	stream.linear.gather [hbm4b:s4+s3], $0x200, $0x38;
	[tilespmem:$0x600] =	vst v63  }
0x10: {  	_ = 	snop  }
0x11: {  	[tilespmem:s11], [sflag:$0x1] =	stream.linear.gather [hbm4b:s5+s3], $0x200, $0x38;
	[tilespmem:$0x600] =	vst v63  }
0x12: {  	_ =	swait.ge [sflag:s12], $0x200  }
0x13: {  	[sflag:s12] =	ssyncset.done $0x0  }
0x14: {  	[sflag:s12] =	ssyncadd.s32 $0xFFFFFE00  }
0x15: {  	_ =	swait.ge [sflag:s12], $0x200  }
0x16: {  	[sflag:s12] =	ssyncset.done $0x0  }
0x17: {  	[sflag:s12] =	ssyncadd.s32 $0xFFFFFE00  }
0x18: {  	v0 =	vld [tilespmem:$0x0]  }
0x19: {  	v1 =	vld [tilespmem:$0x200]  }
0x1a: {  	v2 =	vld [tilespmem:$0x10]  }
0x1b: {  	v3 =	vld [tilespmem:$0x210]  }
0x1c: {  	v6 =	vld [tilespmem:$0x20]  }
0x1d: {  	v7 =	vld [tilespmem:$0x220]  }
0x1e: {  	v8 =	vld [tilespmem:$0x30]  }
0x1f: {  	v33 =	vld [tilespmem:$0x230]  }
0x20: {  	v10 =	vld [tilespmem:$0x40]  }
0x21: {  	v35 =	vld [tilespmem:$0x240]  }
0x22: {  	v41 =	vld [tilespmem:$0x50]  }
0x23: {  	v11 =	vld [tilespmem:$0x250];
	v4 =	vshll.u32 v0, $0xD  }
0x24: {  	v47 =	vld [tilespmem:$0x60];
	v5 =	vshll.u32 v1, $0x3;
	v0 =	vshll.u32 v0, $0x7;
	v31 =	vshll.u32 v2, $0xD  }
0x25: {  	v49 =	vld [tilespmem:$0x260];
	v32 =	vshll.u32 v3, $0x3;
	v2 =	vshll.u32 v2, $0x7;
	v1 =	vand.u32 $0x7F, v1  }
0x26: {  	v13 =	vld [tilespmem:$0x70];
	v34 =	vshll.u32 v6, $0xD;
	v9 =	vshll.u32 v7, $0x3;
	v6 =	vshll.u32 v6, $0x7  }
0x27: {  	v51 =	vld [tilespmem:$0x270];
	v3 =	vand.u32 $0x7F, v3;
	v38 =	vand.u32 $0x7F, v7;
	v39 =	vshll.u32 v8, $0xD  }
0x28: {  	v40 =	vshll.u32 v33, $0x3;
	v8 =	vshll.u32 v8, $0x7;
	v44 =	vshll.u32 v10, $0xD  }
0x29: {  	v45 =	vshll.u32 v35, $0x3;
	v46 =	vshll.u32 v10, $0x7;
	v50 =	vshll.u32 v41, $0xD  }
0x2a: {  	v12 =	vshll.u32 v11, $0x3;
	v7 =	vshll.u32 v41, $0x7;
	v53 =	vand.u32 $0x7F, v11  }
0x2b: {  	v54 =	vshll.u32 v47, $0xD;
	v55 =	vshll.u32 v49, $0x3;
	v58 =	vshll.u32 v47, $0x7  }
0x2c: {  	v61 =	vshll.u32 v13, $0xD;
	v62 =	vshll.u32 v51, $0x3;
	v10 =	vand.u32 $0x7F, v49  }
0x2d: {  	v4 =	vand.u32 $0xFFFF0000, v4;
	v5 =	vand.u32 $0xFFFFFC00, v5;
	v0 =	vand.u32 $0x380, v0  }
0x2e: {  	v2 =	vand.u32 $0x380, v2;
	v9 =	vand.u32 $0xFFFFFC00, v9;
	v6 =	vand.u32 $0x380, v6  }
0x2f: {  	v43 =	vand.u32 $0x380, v8;
	v48 =	vand.u32 $0x380, v46;
	v12 =	vand.u32 $0xFFFFFC00, v12  }
0x30: {  	v7 =	vand.u32 $0x380, v7;
	v56 =	vand.u32 $0xFFFF0000, v54;
	v57 =	vand.u32 $0xFFFFFC00, v55  }
0x31: {  	v60 =	vand.u32 $0x380, v58;
	v63 =	vand.u32 $0xFFFFFC00, v62;
	v4 =	vadd.s32 v4, v5  }
0x32: {  	v5 =	vand.u32 $0xFFFFFC00, v32;
	v0 =	vor.u32 v0, v4;
	v4 =	vand.u32 $0xFFFF0000, v31  }
0x33: {  	v4 =	vadd.s32 v4, v5;
	v0 =	vor.u32 v1, v0;
	v5 =	vand.u32 $0x7F, v33  }
0x34: {  	v2 =	vor.u32 v2, v4;
	v4 =	vand.u32 $0xFFFF0000, v34;
	[tilespmem:$0x200] =	vst v0;
	v0 =	vadd.s32 v56, v57  }
0x35: {  	v4 =	vadd.s32 v4, v9;
	v36 =	vor.u32 v3, v2;
	v9 =	vand.u32 $0x7F, v35  }
0x36: {  	v0 =	vor.u32 v60, v0;
	v37 =	vor.u32 v6, v4;
	v4 =	vand.u32 $0xFFFF0000, v39  }
0x37: {  	v6 =	vand.u32 $0xFFFFFC00, v40;
	v0 =	vor.u32 v10, v0;
	v2 =	vor.u32 v38, v37  }
0x38: {  	v42 =	vadd.s32 v4, v6;
	v4 =	vand.u32 $0xFFFF0000, v44;
	v6 =	vand.u32 $0xFFFFFC00, v45  }
0x39: {  	[tilespmem:$0x210] =	vst v36;
	v3 =	vor.u32 v43, v42;
	v4 =	vadd.s32 v4, v6;
	v6 =	vand.u32 $0xFFFF0000, v50  }
0x3a: {  	[tilespmem:$0x220] =	vst v2;
	v2 =	vand.u32 $0xFFFF0000, v61;
	v4 =	vor.u32 v48, v4;
	v6 =	vadd.s32 v6, v12  }
0x3b: {  	[tilespmem:$0x260] =	vst v0;
	v3 =	vor.u32 v5, v3;
	v4 =	vor.u32 v9, v4;
	v9 =	vshll.u32 v13, $0x7  }
0x3c: {  	v2 =	vadd.s32 v2, v63;
	v52 =	vor.u32 v7, v6;
	[tilespmem:$0x230] =	vst v3;
	v11 =	vand.u32 $0x380, v9  }
0x3d: {  	v14 =	vand.u32 $0x7F, v51;
	v59 =	vor.u32 v53, v52;
	[tilespmem:$0x240] =	vst v4;
	v13 =	vor.u32 v11, v2  }
0x3e: {  	[tilespmem:$0x250] =	vst v59;
	v15 =	vor.u32 v14, v13  }
0x3f: {  	[tilespmem:$0x270] =	vst v15  }
0x40: {  	[tilespmem:s14], [sflag:$0x2] =	stream.indirect.gather [hbm4b:s1+s13], $0x1, s11, s13, $0xb8;
	[tilespmem:$0x600] =	vst v63  }
0x41: {  	v16 =	vld [tilespmem:$0x80]  }
0x42: {  	v17 =	vld [tilespmem:$0x280]  }
0x43: {  	v18 =	vld [tilespmem:$0x90]  }
0x44: {  	v19 =	vld [tilespmem:$0x290]  }
0x45: {  	v22 =	vld [tilespmem:$0xA0]  }
0x46: {  	v23 =	vld [tilespmem:$0x2A0]  }
0x47: {  	v26 =	vld [tilespmem:$0xB0]  }
0x48: {  	v27 =	vld [tilespmem:$0x2B0]  }
0x49: {  	v30 =	vld [tilespmem:$0xC0]  }
0x4a: {  	v31 =	vld [tilespmem:$0x2C0]  }
0x4b: {  	v37 =	vld [tilespmem:$0xD0]  }
0x4c: {  	v38 =	vld [tilespmem:$0x2D0];
	v20 =	vshll.u32 v16, $0xD  }
0x4d: {  	v44 =	vld [tilespmem:$0xE0];
	v21 =	vshll.u32 v17, $0x3;
	v0 =	vshll.u32 v16, $0x7;
	v24 =	vshll.u32 v18, $0xD  }
0x4e: {  	v46 =	vld [tilespmem:$0x2E0];
	v25 =	vshll.u32 v19, $0x3;
	v2 =	vshll.u32 v18, $0x7;
	v1 =	vand.u32 $0x7F, v17  }
0x4f: {  	v49 =	vld [tilespmem:$0xF0];
	v28 =	vshll.u32 v22, $0xD;
	v29 =	vshll.u32 v23, $0x3;
	v6 =	vshll.u32 v22, $0x7  }
0x50: {  	v50 =	vld [tilespmem:$0x2F0];
	v3 =	vand.u32 $0x7F, v19;
	v34 =	vand.u32 $0x7F, v23;
	v35 =	vshll.u32 v26, $0xD  }
0x51: {  	v36 =	vshll.u32 v27, $0x3;
	v8 =	vshll.u32 v26, $0x7;
	v41 =	vshll.u32 v30, $0xD  }
0x52: {  	v42 =	vshll.u32 v31, $0x3;
	v43 =	vshll.u32 v30, $0x7;
	v47 =	vshll.u32 v37, $0xD  }
0x53: {  	v48 =	vshll.u32 v38, $0x3;
	v7 =	vshll.u32 v37, $0x7;
	v52 =	vand.u32 $0x7F, v38  }
0x54: {  	v53 =	vshll.u32 v44, $0xD;
	v54 =	vshll.u32 v46, $0x3;
	v57 =	vshll.u32 v44, $0x7  }
0x55: {  	v60 =	vshll.u32 v49, $0xD;
	v61 =	vshll.u32 v50, $0x3;
	v63 =	vshll.u32 v49, $0x7  }
0x56: {  	v4 =	vand.u32 $0xFFFF0000, v20;
	v5 =	vand.u32 $0xFFFFFC00, v21;
	v0 =	vand.u32 $0x380, v0  }
0x57: {  	v2 =	vand.u32 $0x380, v2;
	v9 =	vand.u32 $0xFFFFFC00, v29;
	v6 =	vand.u32 $0x380, v6  }
0x58: {  	v40 =	vand.u32 $0x380, v8;
	v45 =	vand.u32 $0x380, v43;
	v12 =	vand.u32 $0xFFFFFC00, v48  }
0x59: {  	v7 =	vand.u32 $0x380, v7;
	v55 =	vand.u32 $0xFFFF0000, v53;
	v56 =	vand.u32 $0xFFFFFC00, v54  }
0x5a: {  	v59 =	vand.u32 $0x380, v57;
	v62 =	vand.u32 $0xFFFFFC00, v61;
	v4 =	vadd.s32 v4, v5  }
0x5b: {  	v5 =	vand.u32 $0xFFFFFC00, v25;
	v0 =	vor.u32 v0, v4;
	v4 =	vand.u32 $0xFFFF0000, v24  }
0x5c: {  	v10 =	vand.u32 $0x380, v63;
	v4 =	vadd.s32 v4, v5;
	v0 =	vor.u32 v1, v0  }
0x5d: {  	v5 =	vand.u32 $0x7F, v27;
	v2 =	vor.u32 v2, v4;
	v4 =	vand.u32 $0xFFFF0000, v28  }
0x5e: {  	[tilespmem:$0x280] =	vst v0;
	v0 =	vadd.s32 v55, v56;
	v4 =	vadd.s32 v4, v9;
	v32 =	vor.u32 v3, v2  }
0x5f: {  	v9 =	vand.u32 $0x7F, v31;
	v0 =	vor.u32 v59, v0;
	v33 =	vor.u32 v6, v4  }
0x60: {  	v4 =	vand.u32 $0xFFFF0000, v35;
	v6 =	vand.u32 $0xFFFFFC00, v36;
	v2 =	vor.u32 v34, v33  }
0x61: {  	v39 =	vadd.s32 v4, v6;
	v4 =	vand.u32 $0xFFFF0000, v41;
	v6 =	vand.u32 $0xFFFFFC00, v42  }
0x62: {  	[tilespmem:$0x290] =	vst v32;
	v3 =	vor.u32 v40, v39;
	v4 =	vadd.s32 v4, v6;
	v6 =	vand.u32 $0xFFFF0000, v47  }
0x63: {  	[tilespmem:$0x2A0] =	vst v2;
	v4 =	vor.u32 v45, v4;
	v6 =	vadd.s32 v6, v12;
	v3 =	vor.u32 v5, v3  }
0x64: {  	v2 =	vand.u32 $0xFFFF0000, v60;
	v4 =	vor.u32 v9, v4;
	v51 =	vor.u32 v7, v6;
	[tilespmem:$0x2B0] =	vst v3  }
0x65: {  	v2 =	vadd.s32 v2, v62;
	v9 =	vand.u32 $0x7F, v46;
	v58 =	vor.u32 v52, v51;
	[tilespmem:$0x2C0] =	vst v4  }
0x66: {  	v13 =	vand.u32 $0x7F, v50;
	v11 =	vor.u32 v10, v2;
	v0 =	vor.u32 v9, v0;
	[tilespmem:$0x2D0] =	vst v58  }
0x67: {  	v14 =	vor.u32 v13, v11;
	[tilespmem:$0x2E0] =	vst v0  }
0x68: {  	[tilespmem:$0x2F0] =	vst v14  }
0x69: {  	[tilespmem:s16], [sflag:$0x2] =	stream.indirect.gather [hbm4b:s1+s13], $0x1, s15, s13, $0xb8;
	[tilespmem:$0x600] =	vst v63  }
0x6a: {  	v15 =	vld [tilespmem:$0x100]  }
0x6b: {  	v16 =	vld [tilespmem:$0x300]  }
0x6c: {  	v17 =	vld [tilespmem:$0x110]  }
0x6d: {  	v18 =	vld [tilespmem:$0x310]  }
0x6e: {  	v21 =	vld [tilespmem:$0x120]  }
0x6f: {  	v22 =	vld [tilespmem:$0x320]  }
0x70: {  	v25 =	vld [tilespmem:$0x130]  }
0x71: {  	v26 =	vld [tilespmem:$0x330]  }
0x72: {  	v29 =	vld [tilespmem:$0x140]  }
0x73: {  	v30 =	vld [tilespmem:$0x340]  }
0x74: {  	v36 =	vld [tilespmem:$0x150]  }
0x75: {  	v37 =	vld [tilespmem:$0x350];
	v19 =	vshll.u32 v15, $0xD  }
0x76: {  	v43 =	vld [tilespmem:$0x160];
	v20 =	vshll.u32 v16, $0x3;
	v0 =	vshll.u32 v15, $0x7;
	v23 =	vshll.u32 v17, $0xD  }
0x77: {  	v45 =	vld [tilespmem:$0x360];
	v24 =	vshll.u32 v18, $0x3;
	v2 =	vshll.u32 v17, $0x7;
	v1 =	vand.u32 $0x7F, v16  }
0x78: {  	v48 =	vld [tilespmem:$0x170];
	v27 =	vshll.u32 v21, $0xD;
	v28 =	vshll.u32 v22, $0x3;
	v6 =	vshll.u32 v21, $0x7  }
0x79: {  	v49 =	vld [tilespmem:$0x370];
	v3 =	vand.u32 $0x7F, v18;
	v33 =	vand.u32 $0x7F, v22;
	v34 =	vshll.u32 v25, $0xD  }
0x7a: {  	v35 =	vshll.u32 v26, $0x3;
	v8 =	vshll.u32 v25, $0x7;
	v40 =	vshll.u32 v29, $0xD  }
0x7b: {  	v41 =	vshll.u32 v30, $0x3;
	v42 =	vshll.u32 v29, $0x7;
	v46 =	vshll.u32 v36, $0xD  }
0x7c: {  	v47 =	vshll.u32 v37, $0x3;
	v7 =	vshll.u32 v36, $0x7;
	v51 =	vand.u32 $0x7F, v37  }
0x7d: {  	v52 =	vshll.u32 v43, $0xD;
	v53 =	vshll.u32 v45, $0x3;
	v56 =	vshll.u32 v43, $0x7  }
0x7e: {  	v59 =	vshll.u32 v48, $0xD;
	v60 =	vshll.u32 v49, $0x3;
	v62 =	vshll.u32 v48, $0x7  }
0x7f: {  	v63 =	vand.u32 $0x7F, v45;
	v4 =	vand.u32 $0xFFFF0000, v19;
	v5 =	vand.u32 $0xFFFFFC00, v20  }
0x80: {  	v0 =	vand.u32 $0x380, v0;
	v2 =	vand.u32 $0x380, v2;
	v9 =	vand.u32 $0xFFFFFC00, v28  }
0x81: {  	v6 =	vand.u32 $0x380, v6;
	v39 =	vand.u32 $0x380, v8;
	v44 =	vand.u32 $0x380, v42  }
0x82: {  	v12 =	vand.u32 $0xFFFFFC00, v47;
	v7 =	vand.u32 $0x380, v7;
	v54 =	vand.u32 $0xFFFF0000, v52  }
0x83: {  	v55 =	vand.u32 $0xFFFFFC00, v53;
	v58 =	vand.u32 $0x380, v56;
	v4 =	vadd.s32 v4, v5  }
0x84: {  	v5 =	vand.u32 $0xFFFFFC00, v24;
	v0 =	vor.u32 v0, v4;
	v4 =	vand.u32 $0xFFFF0000, v23  }
0x85: {  	v61 =	vand.u32 $0xFFFFFC00, v60;
	v4 =	vadd.s32 v4, v5;
	v0 =	vor.u32 v1, v0  }
0x86: {  	v5 =	vand.u32 $0x7F, v26;
	v2 =	vor.u32 v2, v4;
	v4 =	vand.u32 $0xFFFF0000, v27  }
0x87: {  	[tilespmem:$0x300] =	vst v0;
	v0 =	vadd.s32 v54, v55;
	v4 =	vadd.s32 v4, v9;
	v31 =	vor.u32 v3, v2  }
0x88: {  	v9 =	vand.u32 $0x7F, v30;
	v0 =	vor.u32 v58, v0;
	v32 =	vor.u32 v6, v4  }
0x89: {  	v4 =	vand.u32 $0xFFFF0000, v34;
	v6 =	vand.u32 $0xFFFFFC00, v35;
	v0 =	vor.u32 v63, v0  }
0x8a: {  	v38 =	vadd.s32 v4, v6;
	v4 =	vand.u32 $0xFFFF0000, v40;
	v6 =	vand.u32 $0xFFFFFC00, v41  }
0x8b: {  	[tilespmem:$0x310] =	vst v31;
	v2 =	vor.u32 v33, v32;
	v3 =	vor.u32 v39, v38;
	v4 =	vadd.s32 v4, v6  }
0x8c: {  	v6 =	vand.u32 $0xFFFF0000, v46;
	[tilespmem:$0x320] =	vst v2;
	v2 =	vand.u32 $0xFFFF0000, v59;
	v4 =	vor.u32 v44, v4  }
0x8d: {  	[tilespmem:$0x360] =	vst v0;
	v6 =	vadd.s32 v6, v12;
	v3 =	vor.u32 v5, v3;
	v2 =	vadd.s32 v2, v61  }
0x8e: {  	v4 =	vor.u32 v9, v4;
	v50 =	vor.u32 v7, v6;
	[tilespmem:$0x330] =	vst v3;
	v7 =	vand.u32 $0x380, v62  }
0x8f: {  	v9 =	vand.u32 $0x7F, v49;
	v57 =	vor.u32 v51, v50;
	[tilespmem:$0x340] =	vst v4;
	v8 =	vor.u32 v7, v2  }
0x90: {  	[tilespmem:$0x350] =	vst v57;
	v10 =	vor.u32 v9, v8  }
0x91: {  	[tilespmem:$0x370] =	vst v10  }
0x92: {  	[tilespmem:s18], [sflag:$0x2] =	stream.indirect.gather [hbm4b:s1+s13], $0x1, s17, s13, $0xb8;
	[tilespmem:$0x600] =	vst v63  }
0x93: {  	v11 =	vld [tilespmem:$0x180]  }
0x94: {  	v12 =	vld [tilespmem:$0x380]  }
0x95: {  	v13 =	vld [tilespmem:$0x190]  }
0x96: {  	v14 =	vld [tilespmem:$0x390]  }
0x97: {  	v17 =	vld [tilespmem:$0x1A0]  }
0x98: {  	v18 =	vld [tilespmem:$0x3A0]  }
0x99: {  	v21 =	vld [tilespmem:$0x1B0]  }
0x9a: {  	v22 =	vld [tilespmem:$0x3B0]  }
0x9b: {  	v25 =	vld [tilespmem:$0x1C0]  }
0x9c: {  	v26 =	vld [tilespmem:$0x3C0]  }
0x9d: {  	v32 =	vld [tilespmem:$0x1D0]  }
0x9e: {  	v33 =	vld [tilespmem:$0x3D0];
	v15 =	vshll.u32 v11, $0xD  }
0x9f: {  	v39 =	vld [tilespmem:$0x1E0];
	v16 =	vshll.u32 v12, $0x3;
	v0 =	vshll.u32 v11, $0x7;
	v19 =	vshll.u32 v13, $0xD  }
0xa0: {  	v41 =	vld [tilespmem:$0x3E0];
	v20 =	vshll.u32 v14, $0x3;
	v2 =	vshll.u32 v13, $0x7;
	v1 =	vand.u32 $0x7F, v12  }
0xa1: {  	v44 =	vld [tilespmem:$0x1F0];
	v23 =	vshll.u32 v17, $0xD;
	v24 =	vshll.u32 v18, $0x3;
	v6 =	vshll.u32 v17, $0x7  }
0xa2: {  	v45 =	vld [tilespmem:$0x3F0];
	v3 =	vand.u32 $0x7F, v14;
	v29 =	vand.u32 $0x7F, v18;
	v30 =	vshll.u32 v21, $0xD  }
0xa3: {  	v31 =	vshll.u32 v22, $0x3;
	v8 =	vshll.u32 v21, $0x7;
	v36 =	vshll.u32 v25, $0xD  }
0xa4: {  	v37 =	vshll.u32 v26, $0x3;
	v38 =	vshll.u32 v25, $0x7;
	v42 =	vshll.u32 v32, $0xD  }
0xa5: {  	v43 =	vshll.u32 v33, $0x3;
	v7 =	vshll.u32 v32, $0x7;
	v47 =	vand.u32 $0x7F, v33  }
0xa6: {  	v48 =	vshll.u32 v39, $0xD;
	v49 =	vshll.u32 v41, $0x3;
	v52 =	vshll.u32 v39, $0x7  }
0xa7: {  	v55 =	vshll.u32 v44, $0xD;
	v56 =	vshll.u32 v45, $0x3;
	v58 =	vshll.u32 v44, $0x7  }
0xa8: {  	v59 =	vand.u32 $0x7F, v41;
	v4 =	vand.u32 $0xFFFF0000, v15;
	v5 =	vand.u32 $0xFFFFFC00, v16  }
0xa9: {  	v0 =	vand.u32 $0x380, v0;
	v2 =	vand.u32 $0x380, v2;
	v9 =	vand.u32 $0xFFFFFC00, v24  }
0xaa: {  	v6 =	vand.u32 $0x380, v6;
	v35 =	vand.u32 $0x380, v8;
	v40 =	vand.u32 $0x380, v38  }
0xab: {  	v12 =	vand.u32 $0xFFFFFC00, v43;
	v7 =	vand.u32 $0x380, v7;
	v50 =	vand.u32 $0xFFFF0000, v48  }
0xac: {  	v51 =	vand.u32 $0xFFFFFC00, v49;
	v54 =	vand.u32 $0x380, v52;
	v4 =	vadd.s32 v4, v5  }
0xad: {  	v5 =	vand.u32 $0xFFFFFC00, v20;
	v0 =	vor.u32 v0, v4;
	v4 =	vand.u32 $0xFFFF0000, v19  }
0xae: {  	v57 =	vand.u32 $0xFFFFFC00, v56;
	v60 =	vand.u32 $0x380, v58;
	v4 =	vadd.s32 v4, v5  }
0xaf: {  	v0 =	vor.u32 v1, v0;
	v2 =	vor.u32 v2, v4;
	v4 =	vand.u32 $0xFFFF0000, v23  }
0xb0: {  	v5 =	vand.u32 $0x7F, v22;
	[tilespmem:$0x380] =	vst v0;
	v0 =	vadd.s32 v50, v51;
	v4 =	vadd.s32 v4, v9  }
0xb1: {  	v27 =	vor.u32 v3, v2;
	v9 =	vand.u32 $0x7F, v26;
	v0 =	vor.u32 v54, v0  }
0xb2: {  	v28 =	vor.u32 v6, v4;
	v4 =	vand.u32 $0xFFFF0000, v30;
	v6 =	vand.u32 $0xFFFFFC00, v31  }
0xb3: {  	v0 =	vor.u32 v59, v0;
	v2 =	vor.u32 v29, v28;
	v34 =	vadd.s32 v4, v6  }
0xb4: {  	[tilespmem:$0x390] =	vst v27;
	v4 =	vand.u32 $0xFFFF0000, v36;
	v6 =	vand.u32 $0xFFFFFC00, v37;
	v3 =	vor.u32 v35, v34  }
0xb5: {  	v4 =	vadd.s32 v4, v6;
	v6 =	vand.u32 $0xFFFF0000, v42;
	[tilespmem:$0x3A0] =	vst v2;
	v2 =	vand.u32 $0xFFFF0000, v55  }
0xb6: {  	[tilespmem:$0x3E0] =	vst v0;
	v4 =	vor.u32 v40, v4;
	v6 =	vadd.s32 v6, v12;
	v3 =	vor.u32 v5, v3  }
0xb7: {  	v2 =	vadd.s32 v2, v57;
	v4 =	vor.u32 v9, v4;
	v46 =	vor.u32 v7, v6;
	[tilespmem:$0x3B0] =	vst v3  }
0xb8: {  	v62 =	vand.u32 $0x7F, v45;
	v61 =	vor.u32 v60, v2;
	v53 =	vor.u32 v47, v46;
	[tilespmem:$0x3C0] =	vst v4  }
0xb9: {  	v63 =	vor.u32 v62, v61;
	[tilespmem:$0x3D0] =	vst v53  }
0xba: {  	[tilespmem:$0x3F0] =	vst v63  }
0xbb: {  	[tilespmem:s20], [sflag:$0x2] =	stream.indirect.gather [hbm4b:s1+s13], $0x1, s19, s13, $0xb8;
	[tilespmem:$0x600] =	vst v63  }
0xbc: {  	_ =	swait.ge [sflag:s21], $0x80  }
0xbd: {  	[sflag:s21] =	ssyncset.done $0x0  }
0xbe: {  	[sflag:s21] =	ssyncadd.s32 $0xFFFFFF80  }
0xbf: {  	[hbm4b:s6+s3] =	stream.linear.scatter [tilespmem:s14], [sflag:$0x1], $0x80, $0x38;
	[tilespmem:$0x600] =	vst v63  }
0xc0: {  	_ =	swait.ge [sflag:s21], $0x80  }
0xc1: {  	[sflag:s21] =	ssyncset.done $0x0  }
0xc2: {  	[sflag:s21] =	ssyncadd.s32 $0xFFFFFF80  }
0xc3: {  	[hbm4b:s7+s3] =	stream.linear.scatter [tilespmem:s16], [sflag:$0x1], $0x80, $0x38;
	[tilespmem:$0x600] =	vst v63  }
0xc4: {  	_ =	swait.ge [sflag:s21], $0x80  }
0xc5: {  	[sflag:s21] =	ssyncset.done $0x0  }
0xc6: {  	[sflag:s21] =	ssyncadd.s32 $0xFFFFFF80  }
0xc7: {  	[hbm4b:s8+s3] =	stream.linear.scatter [tilespmem:s18], [sflag:$0x1], $0x80, $0x38;
	[tilespmem:$0x600] =	vst v63  }
0xc8: {  	_ =	swait.ge [sflag:s21], $0x80  }
0xc9: {  	[sflag:s21] =	ssyncset.done $0x0  }
0xca: {  	[sflag:s21] =	ssyncadd.s32 $0xFFFFFF80  }
0xcb: {  	[hbm4b:s9+s3] =	stream.linear.scatter [tilespmem:s20], [sflag:$0x1], $0x80, $0x38;
	[tilespmem:$0x600] =	vst v63  }
0xcc: {  	_ =	swait.ge [sflag:s12], $0x80  }
0xcd: {  	[sflag:s12] =	ssyncset.done $0x0  }
0xce: {  	[sflag:s12] =	ssyncadd.s32 $0xFFFFFF80  }
0xcf: {  	_ =	swait.ge [sflag:s12], $0x80  }
0xd0: {  	[sflag:s12] =	ssyncset.done $0x0  }
0xd1: {  	[sflag:s12] =	ssyncadd.s32 $0xFFFFFF80  }
0xd2: {  	p0 =	sne.s32 s10, $0x1;
	_ =	swait.ge [sflag:s12], $0x80  }
.Ltmp0:
0xd3: {  	[sflag:s12] =	ssyncset.done $0x0;
	(pc) =	sbr.rel @p0 .LBB2_1-.Ltmp0, $4  }
0xd4: {  	[sflag:s12] =	ssyncadd.s32 $0xFFFFFF80  }
0xd5: {  	_ =	swait.ge [sflag:s12], $0x80  }
0xd6: {  	[sflag:s12] =	ssyncset.done $0x0  }
0xd7: {  	s10 =	sadd.s32 $0xFFFFFFFF, s10;
	[sflag:s12] =	ssyncadd.s32 $0xFFFFFF80  }
0xd8: {  	_ =	sfence.sel $0x180000  }
0xd9: {  	[bflag:$0x0] =	sbarrier.arrive $0xFFFF  }
0xda: {  	p0 =	sne.s32 s2, $0x0;
	_ =	strace $0x90000047  }
0xdb: {  	s0 =	sadd.s32 @!p0 $0x100000, s0;
	[bflag:$0x2] =	sbarrier.arrive $0xFFFF  }
0xdc: {  	[sflag:s0] =	ssyncadd.tile.s32 @!p0 $0x1;
	_ =	shalt  }
.Lfunc_end2:
_tile_overlayer_lowered:
.L_overlay_start_2:
0xdd: {  	(tag) =	ssettag $0x2  }
0xde: {  	s0 =	rddreg [dreg:$0x0];
	s2 =	stileid.u32  }
0xdf: {  	s1 =	rddreg [dreg:$0x1];
	p0 =	sne.s32 s2, $0x0  }
0xe0: {  	s3 =	rddreg [dreg:$0x2];
	[bflag:$0x3] =	sbarrier.arrive $0xFFFF;
	s2 =	simm.s32 @!p0 $0x1C03  }
0xe1: {  	[timem:s3], [sflag:s2] =	dma.local @!p0 [hbm:s0], s1  }
0xe2: {  	s0 =	simm.s32 @!p0 $0x3  }
0xe3: {  	_ =	swait.ge @!p0 [sflag:s0], s1  }
0xe4: {  	s1 =	ssub.s32 @!p0 $0x0, s1;
	[sflag:s0] =	ssyncset.done @!p0 $0x0  }
0xe5: {  	[sflag:s0] =	ssyncadd.s32 @!p0 s1  }
0xe6: {  	[bflag:$0x3] =	sbarrier.arrive $0xFFFF  }
0xe7: {  	_ =	shalt  }

</sc_bundles>
